<compile_context>
chip_gen: v7x
topology: tpu7x:2x2x1
jax: 0.10.2.dev20260603
libtpu: 0.0.44.dev20260713+nightly
codegen_flags: <defaults>
</compile_context>

<pallas_src>
import functools

import jax
import jax.numpy as jnp
from jax import lax
from jax.experimental import pallas as pl
from jax.experimental.pallas import tpu as pltpu
from jax.experimental.pallas import tpu_sc as plsc


_NC = 2
_NS = 16
_NW = _NC * _NS
_C = 4
_NBUF = 4
_L = 16


def _sc_body(seq_len, batch, d_model, x_hbm, pe_hbm, out_hbm, xv, pev, *sems):
    rows_per_w = seq_len // _NW
    n_chunks = rows_per_w // _C
    n_groups = n_chunks // _NBUF
    n_vec = d_model // _L
    sem_ix = sems[0:_NBUF]
    sem_ip = sems[_NBUF:2 * _NBUF]
    sem_o = sems[2 * _NBUF:3 * _NBUF]
    wid = lax.axis_index("s") * _NC + lax.axis_index("c")
    base = wid * rows_per_w

    def in_copies(g, b):
        row = base + g * _C
        return (
            pltpu.make_async_copy(x_hbm.at[pl.ds(row, _C)], xv.at[b],
                                  sem_ix[b]),
            pltpu.make_async_copy(pe_hbm.at[pl.ds(row, _C)], pev.at[b],
                                  sem_ip[b]),
        )

    def out_copy(g, b):
        row = base + g * _C
        return pltpu.make_async_copy(xv.at[b], out_hbm.at[pl.ds(row, _C)],
                                     sem_o[b])

    def start_in(g, b):
        cx, cp = in_copies(g, b)
        cx.start()
        cp.start()

    def compute(b):
        @plsc.parallel_loop(0, _C * n_vec, unroll=4)
        def _(t):
            s = t // n_vec
            off = (t % n_vec) * _L
            pv = pev[b, s, pl.ds(off, _L)]
            for bb in range(batch):
                xv[b, s, bb, pl.ds(off, _L)] = xv[b, s, bb, pl.ds(off, _L)] + pv

    for b in range(_NBUF):
        start_in(b, b)

    def group(k, carry):
        for b in range(_NBUF):
            g = k * _NBUF + b
            cx, cp = in_copies(g, b)
            cx.wait()
            cp.wait()
            compute(b)
            out_copy(g, b).start()
            bp = (b + 2) % _NBUF

            @pl.when(jnp.logical_and(g - 2 >= 0, g + 2 < n_chunks))
            def _():
                out_copy(g - 2, bp).wait()
                start_in(g + 2, bp)
        return carry

    lax.fori_loop(0, n_groups, group, 0, unroll=False)

    for b in range(_NBUF):
        g = (n_groups - 1) * _NBUF + b
        out_copy(g, b).wait()


def kernel(x, pe):
    seq_len, batch, d_model = x.shape
    mesh = plsc.VectorSubcoreMesh(
        core_axis_name="c", subcore_axis_name="s",
        num_cores=_NC, num_subcores=_NS,
    )
    body = functools.partial(_sc_body, seq_len, batch, d_model)
    return pl.kernel(
        body,
        out_type=jax.ShapeDtypeStruct((seq_len, batch, d_model), x.dtype),
        mesh=mesh,
        scratch_types=[
            pltpu.VMEM((_NBUF, _C, batch, d_model), jnp.float32),
            pltpu.VMEM((_NBUF, _C, d_model), jnp.float32),
        ] + [pltpu.SemaphoreType.DMA] * (3 * _NBUF),
    )(x, pe[:seq_len])

# --- scband reference (transcript-rebuilt; emitter-appended) ---
"""Pipeline reference for scband-learned-positional-encoding-4827543241207 (READ-ONLY COPY).

The authoritative reference and input builder live on the scoring server;
editing this copy changes nothing except your own understanding.
"""

import jax, jax.numpy as jnp
import numpy as np

SEQ_LEN = 2048
BATCH = 4
D_MODEL = 1024
MAX_LEN = 2048

def setup_inputs(seed: int = 0) -> dict:
    key = jax.random.key(seed)
    k1, k2 = jax.random.split(key)
    x = jax.random.normal(k1, (SEQ_LEN, BATCH, D_MODEL), dtype=jnp.float32)
    pe = jax.random.normal(k2, (MAX_LEN, D_MODEL), dtype=jnp.float32) * 0.02
    return {"x": x, "pe": pe}

def reference(x, pe):
    # x: [seq_len, batch, d_model]
    seq_len = x.shape[0]
    positions = jnp.arange(seq_len)
    pos_emb = jnp.take(pe, positions, axis=0)  # [seq_len, d_model]
    out = x + pos_emb[:, None, :]
    # dropout p=0.0 -> identity
    return out

if __name__ == "__main__":
    import jax
    _d = setup_inputs()
    print(jax.jit(kernel)(*tuple(_d.values())))

</pallas_src>

<mosaic_0001>
#map = affine_map<(d0, d1) -> (0, 0, 0)>
#map1 = affine_map<(d0, d1) -> (0, 0)>
module attributes {stable_mosaic.version = 14 : i64} {
  func.func @_sc_body(%arg0: i32, %arg1: i32, %arg2: memref<2048x4x1024xf32, #tpu.memory_space<hbm>>, %arg3: memref<2048x1024xf32, #tpu.memory_space<hbm>>, %arg4: memref<2048x4x1024xf32, #tpu.memory_space<hbm>>, %arg5: memref<4x4x4x1024xf32, #tpu.memory_space<vmem>>, %arg6: memref<4x4x1024xf32, #tpu.memory_space<vmem>>, %arg7: memref<!tpu.dma_semaphore, #tpu.memory_space<semaphore_mem>>, %arg8: memref<!tpu.dma_semaphore, #tpu.memory_space<semaphore_mem>>, %arg9: memref<!tpu.dma_semaphore, #tpu.memory_space<semaphore_mem>>, %arg10: memref<!tpu.dma_semaphore, #tpu.memory_space<semaphore_mem>>, %arg11: memref<!tpu.dma_semaphore, #tpu.memory_space<semaphore_mem>>, %arg12: memref<!tpu.dma_semaphore, #tpu.memory_space<semaphore_mem>>, %arg13: memref<!tpu.dma_semaphore, #tpu.memory_space<semaphore_mem>>, %arg14: memref<!tpu.dma_semaphore, #tpu.memory_space<semaphore_mem>>, %arg15: memref<!tpu.dma_semaphore, #tpu.memory_space<semaphore_mem>>, %arg16: memref<!tpu.dma_semaphore, #tpu.memory_space<semaphore_mem>>, %arg17: memref<!tpu.dma_semaphore, #tpu.memory_space<semaphore_mem>>, %arg18: memref<!tpu.dma_semaphore, #tpu.memory_space<semaphore_mem>>) attributes {dimension_semantics = [#tpu.dimension_semantics<core_parallel>, #tpu.dimension_semantics<subcore_parallel>], iteration_bounds = array<i64: 2, 16>, scalar_prefetch = 0 : i64, scratch_operands = 14 : i64, tpu.core_type = #tpu.core_type<sc_vector_subcore>, window_params = [{transform_indices = #map}, {transform_indices = #map1}, {transform_indices = #map}]} {
    %mul3A = arith.constant 2 : i32
    %mul3A_0 = arith.muli %arg1, %mul3A : i32
    %add3A = arith.addi %mul3A_0, %arg0 : i32
    %mul3A_1 = arith.constant 64 : i32
    %mul3A_2 = arith.muli %add3A, %mul3A_1 : i32
    %add3A_3 = arith.constant 0 : i32
    %add3A_4 = arith.addi %mul3A_2, %add3A_3 : i32
    %dma_start3A = arith.constant 0 : i32
    %dma_start3A_5 = arith.constant 0 : i32
    %dma_start3A_6 = arith.constant 0 : i32
    %dma_start3A_7 = arith.constant 0 : i32
    %dma_start3A_8 = tpu.memref_slice %arg5[%dma_start3A, %dma_start3A_5, %dma_start3A_6, %dma_start3A_7] : memref<4x4x4x1024xf32, #tpu.memory_space<vmem>> -> memref<1x4x4x1024xf32, #tpu.memory_space<vmem>>
    %dma_start3A_9 = tpu.memref_squeeze %dma_start3A_8 : memref<1x4x4x1024xf32, #tpu.memory_space<vmem>> -> memref<4x4x1024xf32, #tpu.memory_space<vmem>>
    %dma_start3A_10 = arith.constant 0 : i32
    %dma_start3A_11 = arith.constant 0 : i32
    %dma_start3A_12 = tpu.memref_slice %arg2[%add3A_4, %dma_start3A_10, %dma_start3A_11] : memref<2048x4x1024xf32, #tpu.memory_space<hbm>> -> memref<4x4x1024xf32, #tpu.memory_space<hbm>>
    %dma_start3A_13 = arith.constant 0 : i32
    %dma_start3A_14 = arith.constant 0 : i32
    %dma_start3A_15 = arith.constant 0 : i32
    %dma_start3A_16 = tpu.memref_slice %arg5[%dma_start3A, %dma_start3A_13, %dma_start3A_14, %dma_start3A_15] : memref<4x4x4x1024xf32, #tpu.memory_space<vmem>> -> memref<1x4x4x1024xf32, #tpu.memory_space<vmem>>
    %dma_start3A_17 = tpu.memref_squeeze %dma_start3A_16 : memref<1x4x4x1024xf32, #tpu.memory_space<vmem>> -> memref<4x4x1024xf32, #tpu.memory_space<vmem>>
    %dma_start3A_18 = arith.constant 0 : i32
    %dma_start3A_19 = arith.constant 0 : i32
    %dma_start3A_20 = tpu.memref_slice %arg2[%add3A_4, %dma_start3A_18, %dma_start3A_19] : memref<2048x4x1024xf32, #tpu.memory_space<hbm>> -> memref<4x4x1024xf32, #tpu.memory_space<hbm>>
    tpu.enqueue_dma source(%dma_start3A_20 : memref<4x4x1024xf32, #tpu.memory_space<hbm>>) target(%dma_start3A_17 : memref<4x4x1024xf32, #tpu.memory_space<vmem>>) target_semaphore(%arg7 : memref<!tpu.dma_semaphore, #tpu.memory_space<semaphore_mem>>)
    %dma_start3A_21 = arith.constant 0 : i32
    %dma_start3A_22 = arith.constant 0 : i32
    %dma_start3A_23 = arith.constant 0 : i32
    %dma_start3A_24 = tpu.memref_slice %arg6[%dma_start3A_21, %dma_start3A_22, %dma_start3A_23] : memref<4x4x1024xf32, #tpu.memory_space<vmem>> -> memref<1x4x1024xf32, #tpu.memory_space<vmem>>
    %dma_start3A_25 = tpu.memref_squeeze %dma_start3A_24 : memref<1x4x1024xf32, #tpu.memory_space<vmem>> -> memref<4x1024xf32, #tpu.memory_space<vmem>>
    %dma_start3A_26 = arith.constant 0 : i32
    %dma_start3A_27 = tpu.memref_slice %arg3[%add3A_4, %dma_start3A_26] : memref<2048x1024xf32, #tpu.memory_space<hbm>> -> memref<4x1024xf32, #tpu.memory_space<hbm>>
    %dma_start3A_28 = arith.constant 0 : i32
    %dma_start3A_29 = arith.constant 0 : i32
    %dma_start3A_30 = tpu.memref_slice %arg6[%dma_start3A_21, %dma_start3A_28, %dma_start3A_29] : memref<4x4x1024xf32, #tpu.memory_space<vmem>> -> memref<1x4x1024xf32, #tpu.memory_space<vmem>>
    %dma_start3A_31 = tpu.memref_squeeze %dma_start3A_30 : memref<1x4x1024xf32, #tpu.memory_space<vmem>> -> memref<4x1024xf32, #tpu.memory_space<vmem>>
    %dma_start3A_32 = arith.constant 0 : i32
    %dma_start3A_33 = tpu.memref_slice %arg3[%add3A_4, %dma_start3A_32] : memref<2048x1024xf32, #tpu.memory_space<hbm>> -> memref<4x1024xf32, #tpu.memory_space<hbm>>
    tpu.enqueue_dma source(%dma_start3A_33 : memref<4x1024xf32, #tpu.memory_space<hbm>>) target(%dma_start3A_31 : memref<4x1024xf32, #tpu.memory_space<vmem>>) target_semaphore(%arg11 : memref<!tpu.dma_semaphore, #tpu.memory_space<semaphore_mem>>)
    %add3A_34 = arith.constant 4 : i32
    %add3A_35 = arith.addi %mul3A_2, %add3A_34 : i32
    %dma_start3A_36 = arith.constant 1 : i32
    %dma_start3A_37 = arith.constant 0 : i32
    %dma_start3A_38 = arith.constant 0 : i32
    %dma_start3A_39 = arith.constant 0 : i32
    %dma_start3A_40 = tpu.memref_slice %arg5[%dma_start3A_36, %dma_start3A_37, %dma_start3A_38, %dma_start3A_39] : memref<4x4x4x1024xf32, #tpu.memory_space<vmem>> -> memref<1x4x4x1024xf32, #tpu.memory_space<vmem>>
    %dma_start3A_41 = tpu.memref_squeeze %dma_start3A_40 : memref<1x4x4x1024xf32, #tpu.memory_space<vmem>> -> memref<4x4x1024xf32, #tpu.memory_space<vmem>>
    %dma_start3A_42 = arith.constant 0 : i32
    %dma_start3A_43 = arith.constant 0 : i32
    %dma_start3A_44 = tpu.memref_slice %arg2[%add3A_35, %dma_start3A_42, %dma_start3A_43] : memref<2048x4x1024xf32, #tpu.memory_space<hbm>> -> memref<4x4x1024xf32, #tpu.memory_space<hbm>>
    %dma_start3A_45 = arith.constant 0 : i32
    %dma_start3A_46 = arith.constant 0 : i32
    %dma_start3A_47 = arith.constant 0 : i32
    %dma_start3A_48 = tpu.memref_slice %arg5[%dma_start3A_36, %dma_start3A_45, %dma_start3A_46, %dma_start3A_47] : memref<4x4x4x1024xf32, #tpu.memory_space<vmem>> -> memref<1x4x4x1024xf32, #tpu.memory_space<vmem>>
    %dma_start3A_49 = tpu.memref_squeeze %dma_start3A_48 : memref<1x4x4x1024xf32, #tpu.memory_space<vmem>> -> memref<4x4x1024xf32, #tpu.memory_space<vmem>>
    %dma_start3A_50 = arith.constant 0 : i32
    %dma_start3A_51 = arith.constant 0 : i32
    %dma_start3A_52 = tpu.memref_slice %arg2[%add3A_35, %dma_start3A_50, %dma_start3A_51] : memref<2048x4x1024xf32, #tpu.memory_space<hbm>> -> memref<4x4x1024xf32, #tpu.memory_space<hbm>>
    tpu.enqueue_dma source(%dma_start3A_52 : memref<4x4x1024xf32, #tpu.memory_space<hbm>>) target(%dma_start3A_49 : memref<4x4x1024xf32, #tpu.memory_space<vmem>>) target_semaphore(%arg8 : memref<!tpu.dma_semaphore, #tpu.memory_space<semaphore_mem>>)
    %dma_start3A_53 = arith.constant 1 : i32
    %dma_start3A_54 = arith.constant 0 : i32
    %dma_start3A_55 = arith.constant 0 : i32
    %dma_start3A_56 = tpu.memref_slice %arg6[%dma_start3A_53, %dma_start3A_54, %dma_start3A_55] : memref<4x4x1024xf32, #tpu.memory_space<vmem>> -> memref<1x4x1024xf32, #tpu.memory_space<vmem>>
    %dma_start3A_57 = tpu.memref_squeeze %dma_start3A_56 : memref<1x4x1024xf32, #tpu.memory_space<vmem>> -> memref<4x1024xf32, #tpu.memory_space<vmem>>
    %dma_start3A_58 = arith.constant 0 : i32
    %dma_start3A_59 = tpu.memref_slice %arg3[%add3A_35, %dma_start3A_58] : memref<2048x1024xf32, #tpu.memory_space<hbm>> -> memref<4x1024xf32, #tpu.memory_space<hbm>>
    %dma_start3A_60 = arith.constant 0 : i32
    %dma_start3A_61 = arith.constant 0 : i32
    %dma_start3A_62 = tpu.memref_slice %arg6[%dma_start3A_53, %dma_start3A_60, %dma_start3A_61] : memref<4x4x1024xf32, #tpu.memory_space<vmem>> -> memref<1x4x1024xf32, #tpu.memory_space<vmem>>
    %dma_start3A_63 = tpu.memref_squeeze %dma_start3A_62 : memref<1x4x1024xf32, #tpu.memory_space<vmem>> -> memref<4x1024xf32, #tpu.memory_space<vmem>>
    %dma_start3A_64 = arith.constant 0 : i32
    %dma_start3A_65 = tpu.memref_slice %arg3[%add3A_35, %dma_start3A_64] : memref<2048x1024xf32, #tpu.memory_space<hbm>> -> memref<4x1024xf32, #tpu.memory_space<hbm>>
    tpu.enqueue_dma source(%dma_start3A_65 : memref<4x1024xf32, #tpu.memory_space<hbm>>) target(%dma_start3A_63 : memref<4x1024xf32, #tpu.memory_space<vmem>>) target_semaphore(%arg12 : memref<!tpu.dma_semaphore, #tpu.memory_space<semaphore_mem>>)
    %add3A_66 = arith.constant 8 : i32
    %add3A_67 = arith.addi %mul3A_2, %add3A_66 : i32
    %dma_start3A_68 = arith.constant 2 : i32
    %dma_start3A_69 = arith.constant 0 : i32
    %dma_start3A_70 = arith.constant 0 : i32
    %dma_start3A_71 = arith.constant 0 : i32
    %dma_start3A_72 = tpu.memref_slice %arg5[%dma_start3A_68, %dma_start3A_69, %dma_start3A_70, %dma_start3A_71] : memref<4x4x4x1024xf32, #tpu.memory_space<vmem>> -> memref<1x4x4x1024xf32, #tpu.memory_space<vmem>>
    %dma_start3A_73 = tpu.memref_squeeze %dma_start3A_72 : memref<1x4x4x1024xf32, #tpu.memory_space<vmem>> -> memref<4x4x1024xf32, #tpu.memory_space<vmem>>
    %dma_start3A_74 = arith.constant 0 : i32
    %dma_start3A_75 = arith.constant 0 : i32
    %dma_start3A_76 = tpu.memref_slice %arg2[%add3A_67, %dma_start3A_74, %dma_start3A_75] : memref<2048x4x1024xf32, #tpu.memory_space<hbm>> -> memref<4x4x1024xf32, #tpu.memory_space<hbm>>
    %dma_start3A_77 = arith.constant 0 : i32
    %dma_start3A_78 = arith.constant 0 : i32
    %dma_start3A_79 = arith.constant 0 : i32
    %dma_start3A_80 = tpu.memref_slice %arg5[%dma_start3A_68, %dma_start3A_77, %dma_start3A_78, %dma_start3A_79] : memref<4x4x4x1024xf32, #tpu.memory_space<vmem>> -> memref<1x4x4x1024xf32, #tpu.memory_space<vmem>>
    %dma_start3A_81 = tpu.memref_squeeze %dma_start3A_80 : memref<1x4x4x1024xf32, #tpu.memory_space<vmem>> -> memref<4x4x1024xf32, #tpu.memory_space<vmem>>
    %dma_start3A_82 = arith.constant 0 : i32
    %dma_start3A_83 = arith.constant 0 : i32
    %dma_start3A_84 = tpu.memref_slice %arg2[%add3A_67, %dma_start3A_82, %dma_start3A_83] : memref<2048x4x1024xf32, #tpu.memory_space<hbm>> -> memref<4x4x1024xf32, #tpu.memory_space<hbm>>
    tpu.enqueue_dma source(%dma_start3A_84 : memref<4x4x1024xf32, #tpu.memory_space<hbm>>) target(%dma_start3A_81 : memref<4x4x1024xf32, #tpu.memory_space<vmem>>) target_semaphore(%arg9 : memref<!tpu.dma_semaphore, #tpu.memory_space<semaphore_mem>>)
    %dma_start3A_85 = arith.constant 2 : i32
    %dma_start3A_86 = arith.constant 0 : i32
    %dma_start3A_87 = arith.constant 0 : i32
    %dma_start3A_88 = tpu.memref_slice %arg6[%dma_start3A_85, %dma_start3A_86, %dma_start3A_87] : memref<4x4x1024xf32, #tpu.memory_space<vmem>> -> memref<1x4x1024xf32, #tpu.memory_space<vmem>>
    %dma_start3A_89 = tpu.memref_squeeze %dma_start3A_88 : memref<1x4x1024xf32, #tpu.memory_space<vmem>> -> memref<4x1024xf32, #tpu.memory_space<vmem>>
    %dma_start3A_90 = arith.constant 0 : i32
    %dma_start3A_91 = tpu.memref_slice %arg3[%add3A_67, %dma_start3A_90] : memref<2048x1024xf32, #tpu.memory_space<hbm>> -> memref<4x1024xf32, #tpu.memory_space<hbm>>
    %dma_start3A_92 = arith.constant 0 : i32
    %dma_start3A_93 = arith.constant 0 : i32
    %dma_start3A_94 = tpu.memref_slice %arg6[%dma_start3A_85, %dma_start3A_92, %dma_start3A_93] : memref<4x4x1024xf32, #tpu.memory_space<vmem>> -> memref<1x4x1024xf32, #tpu.memory_space<vmem>>
    %dma_start3A_95 = tpu.memref_squeeze %dma_start3A_94 : memref<1x4x1024xf32, #tpu.memory_space<vmem>> -> memref<4x1024xf32, #tpu.memory_space<vmem>>
    %dma_start3A_96 = arith.constant 0 : i32
    %dma_start3A_97 = tpu.memref_slice %arg3[%add3A_67, %dma_start3A_96] : memref<2048x1024xf32, #tpu.memory_space<hbm>> -> memref<4x1024xf32, #tpu.memory_space<hbm>>
    tpu.enqueue_dma source(%dma_start3A_97 : memref<4x1024xf32, #tpu.memory_space<hbm>>) target(%dma_start3A_95 : memref<4x1024xf32, #tpu.memory_space<vmem>>) target_semaphore(%arg13 : memref<!tpu.dma_semaphore, #tpu.memory_space<semaphore_mem>>)
    %add3A_98 = arith.constant 12 : i32
    %add3A_99 = arith.addi %mul3A_2, %add3A_98 : i32
    %dma_start3A_100 = arith.constant 3 : i32
    %dma_start3A_101 = arith.constant 0 : i32
    %dma_start3A_102 = arith.constant 0 : i32
    %dma_start3A_103 = arith.constant 0 : i32
    %dma_start3A_104 = tpu.memref_slice %arg5[%dma_start3A_100, %dma_start3A_101, %dma_start3A_102, %dma_start3A_103] : memref<4x4x4x1024xf32, #tpu.memory_space<vmem>> -> memref<1x4x4x1024xf32, #tpu.memory_space<vmem>>
    %dma_start3A_105 = tpu.memref_squeeze %dma_start3A_104 : memref<1x4x4x1024xf32, #tpu.memory_space<vmem>> -> memref<4x4x1024xf32, #tpu.memory_space<vmem>>
    %dma_start3A_106 = arith.constant 0 : i32
    %dma_start3A_107 = arith.constant 0 : i32
    %dma_start3A_108 = tpu.memref_slice %arg2[%add3A_99, %dma_start3A_106, %dma_start3A_107] : memref<2048x4x1024xf32, #tpu.memory_space<hbm>> -> memref<4x4x1024xf32, #tpu.memory_space<hbm>>
    %dma_start3A_109 = arith.constant 0 : i32
    %dma_start3A_110 = arith.constant 0 : i32
    %dma_start3A_111 = arith.constant 0 : i32
    %dma_start3A_112 = tpu.memref_slice %arg5[%dma_start3A_100, %dma_start3A_109, %dma_start3A_110, %dma_start3A_111] : memref<4x4x4x1024xf32, #tpu.memory_space<vmem>> -> memref<1x4x4x1024xf32, #tpu.memory_space<vmem>>
    %dma_start3A_113 = tpu.memref_squeeze %dma_start3A_112 : memref<1x4x4x1024xf32, #tpu.memory_space<vmem>> -> memref<4x4x1024xf32, #tpu.memory_space<vmem>>
    %dma_start3A_114 = arith.constant 0 : i32
    %dma_start3A_115 = arith.constant 0 : i32
    %dma_start3A_116 = tpu.memref_slice %arg2[%add3A_99, %dma_start3A_114, %dma_start3A_115] : memref<2048x4x1024xf32, #tpu.memory_space<hbm>> -> memref<4x4x1024xf32, #tpu.memory_space<hbm>>
    tpu.enqueue_dma source(%dma_start3A_116 : memref<4x4x1024xf32, #tpu.memory_space<hbm>>) target(%dma_start3A_113 : memref<4x4x1024xf32, #tpu.memory_space<vmem>>) target_semaphore(%arg10 : memref<!tpu.dma_semaphore, #tpu.memory_space<semaphore_mem>>)
    %dma_start3A_117 = arith.constant 3 : i32
    %dma_start3A_118 = arith.constant 0 : i32
    %dma_start3A_119 = arith.constant 0 : i32
    %dma_start3A_120 = tpu.memref_slice %arg6[%dma_start3A_117, %dma_start3A_118, %dma_start3A_119] : memref<4x4x1024xf32, #tpu.memory_space<vmem>> -> memref<1x4x1024xf32, #tpu.memory_space<vmem>>
    %dma_start3A_121 = tpu.memref_squeeze %dma_start3A_120 : memref<1x4x1024xf32, #tpu.memory_space<vmem>> -> memref<4x1024xf32, #tpu.memory_space<vmem>>
    %dma_start3A_122 = arith.constant 0 : i32
    %dma_start3A_123 = tpu.memref_slice %arg3[%add3A_99, %dma_start3A_122] : memref<2048x1024xf32, #tpu.memory_space<hbm>> -> memref<4x1024xf32, #tpu.memory_space<hbm>>
    %dma_start3A_124 = arith.constant 0 : i32
    %dma_start3A_125 = arith.constant 0 : i32
    %dma_start3A_126 = tpu.memref_slice %arg6[%dma_start3A_117, %dma_start3A_124, %dma_start3A_125] : memref<4x4x1024xf32, #tpu.memory_space<vmem>> -> memref<1x4x1024xf32, #tpu.memory_space<vmem>>
    %dma_start3A_127 = tpu.memref_squeeze %dma_start3A_126 : memref<1x4x1024xf32, #tpu.memory_space<vmem>> -> memref<4x1024xf32, #tpu.memory_space<vmem>>
    %dma_start3A_128 = arith.constant 0 : i32
    %dma_start3A_129 = tpu.memref_slice %arg3[%add3A_99, %dma_start3A_128] : memref<2048x1024xf32, #tpu.memory_space<hbm>> -> memref<4x1024xf32, #tpu.memory_space<hbm>>
    tpu.enqueue_dma source(%dma_start3A_129 : memref<4x1024xf32, #tpu.memory_space<hbm>>) target(%dma_start3A_127 : memref<4x1024xf32, #tpu.memory_space<vmem>>) target_semaphore(%arg14 : memref<!tpu.dma_semaphore, #tpu.memory_space<semaphore_mem>>)
    %scan3A = arith.constant 0 : i32
    %scan3A_130 = arith.constant 0 : i32
    %scan3A_131 = arith.constant 4 : i32
    %scan3A_132 = arith.addi %scan3A_130, %scan3A_131 : i32
    %scan3A_133 = arith.constant 1 : i32
    scf.for %scan3A_210 = %scan3A_130 to %scan3A_132 step %scan3A_133  : i32 {
      %mul3A_211 = arith.constant 4 : i32
      %mul3A_212 = arith.muli %scan3A_210, %mul3A_211 : i32
      %add3A_213 = arith.constant 0 : i32
      %add3A_214 = arith.addi %mul3A_212, %add3A_213 : i32
      %mul3A_215 = arith.constant 4 : i32
      %mul3A_216 = arith.muli %add3A_214, %mul3A_215 : i32
      %add3A_217 = arith.addi %mul3A_2, %mul3A_216 : i32
      %dma_wait3A_218 = arith.constant 0 : i32
      %dma_wait3A_219 = arith.constant 0 : i32
      %dma_wait3A_220 = arith.constant 0 : i32
      %dma_wait3A_221 = arith.constant 0 : i32
      %dma_wait3A_222 = tpu.memref_slice %arg5[%dma_wait3A_218, %dma_wait3A_219, %dma_wait3A_220, %dma_wait3A_221] : memref<4x4x4x1024xf32, #tpu.memory_space<vmem>> -> memref<1x4x4x1024xf32, #tpu.memory_space<vmem>>
      %dma_wait3A_223 = tpu.memref_squeeze %dma_wait3A_222 : memref<1x4x4x1024xf32, #tpu.memory_space<vmem>> -> memref<4x4x1024xf32, #tpu.memory_space<vmem>>
      %dma_wait3A_224 = arith.constant 0 : i32
      %dma_wait3A_225 = arith.constant 0 : i32
      %dma_wait3A_226 = tpu.memref_slice %arg2[%add3A_217, %dma_wait3A_224, %dma_wait3A_225] : memref<2048x4x1024xf32, #tpu.memory_space<hbm>> -> memref<4x4x1024xf32, #tpu.memory_space<hbm>>
      %dma_wait3A_227 = arith.constant 0 : i32
      %dma_wait3A_228 = arith.constant 0 : i32
      %dma_wait3A_229 = arith.constant 0 : i32
      %dma_wait3A_230 = tpu.memref_slice %arg5[%dma_wait3A_218, %dma_wait3A_227, %dma_wait3A_228, %dma_wait3A_229] : memref<4x4x4x1024xf32, #tpu.memory_space<vmem>> -> memref<1x4x4x1024xf32, #tpu.memory_space<vmem>>
      %dma_wait3A_231 = tpu.memref_squeeze %dma_wait3A_230 : memref<1x4x4x1024xf32, #tpu.memory_space<vmem>> -> memref<4x4x1024xf32, #tpu.memory_space<vmem>>
      %dma_wait3A_232 = arith.constant 0 : i32
      %dma_wait3A_233 = arith.constant 0 : i32
      %dma_wait3A_234 = tpu.memref_slice %arg2[%add3A_217, %dma_wait3A_232, %dma_wait3A_233] : memref<2048x4x1024xf32, #tpu.memory_space<hbm>> -> memref<4x4x1024xf32, #tpu.memory_space<hbm>>
      tpu.wait_dma2 semaphore(%arg7 : memref<!tpu.dma_semaphore, #tpu.memory_space<semaphore_mem>>) src(%dma_wait3A_234 : memref<4x4x1024xf32, #tpu.memory_space<hbm>>) dst(%dma_wait3A_231 : memref<4x4x1024xf32, #tpu.memory_space<vmem>>)
      %dma_wait3A_235 = arith.constant 0 : i32
      %dma_wait3A_236 = arith.constant 0 : i32
      %dma_wait3A_237 = arith.constant 0 : i32
      %dma_wait3A_238 = tpu.memref_slice %arg6[%dma_wait3A_235, %dma_wait3A_236, %dma_wait3A_237] : memref<4x4x1024xf32, #tpu.memory_space<vmem>> -> memref<1x4x1024xf32, #tpu.memory_space<vmem>>
      %dma_wait3A_239 = tpu.memref_squeeze %dma_wait3A_238 : memref<1x4x1024xf32, #tpu.memory_space<vmem>> -> memref<4x1024xf32, #tpu.memory_space<vmem>>
      %dma_wait3A_240 = arith.constant 0 : i32
      %dma_wait3A_241 = tpu.memref_slice %arg3[%add3A_217, %dma_wait3A_240] : memref<2048x1024xf32, #tpu.memory_space<hbm>> -> memref<4x1024xf32, #tpu.memory_space<hbm>>
      %dma_wait3A_242 = arith.constant 0 : i32
      %dma_wait3A_243 = arith.constant 0 : i32
      %dma_wait3A_244 = tpu.memref_slice %arg6[%dma_wait3A_235, %dma_wait3A_242, %dma_wait3A_243] : memref<4x4x1024xf32, #tpu.memory_space<vmem>> -> memref<1x4x1024xf32, #tpu.memory_space<vmem>>
      %dma_wait3A_245 = tpu.memref_squeeze %dma_wait3A_244 : memref<1x4x1024xf32, #tpu.memory_space<vmem>> -> memref<4x1024xf32, #tpu.memory_space<vmem>>
      %dma_wait3A_246 = arith.constant 0 : i32
      %dma_wait3A_247 = tpu.memref_slice %arg3[%add3A_217, %dma_wait3A_246] : memref<2048x1024xf32, #tpu.memory_space<hbm>> -> memref<4x1024xf32, #tpu.memory_space<hbm>>
      tpu.wait_dma2 semaphore(%arg11 : memref<!tpu.dma_semaphore, #tpu.memory_space<semaphore_mem>>) src(%dma_wait3A_247 : memref<4x1024xf32, #tpu.memory_space<hbm>>) dst(%dma_wait3A_245 : memref<4x1024xf32, #tpu.memory_space<vmem>>)
      %parallel_loop3A = arith.constant 0 : i32
      %parallel_loop3A_248 = arith.constant 256 : i32
      %parallel_loop3A_249 = arith.constant 1 : i32
      scf.for %parallel_loop3A_492 = %parallel_loop3A to %parallel_loop3A_248 step %parallel_loop3A_249  : i32 {
        %parallel_loop3A_493 = arith.constant 64 : i32
        %parallel_loop3A_494 = arith.divsi %parallel_loop3A_492, %parallel_loop3A_493 : i32
        %parallel_loop3A_495 = arith.constant 0 : i32
        %parallel_loop3A_496 = arith.cmpi sgt, %parallel_loop3A_492, %parallel_loop3A_495 : i32
        %parallel_loop3A_497 = arith.extui %parallel_loop3A_496 : i1 to i32
        %parallel_loop3A_498 = arith.constant 0 : i32
        %parallel_loop3A_499 = arith.cmpi slt, %parallel_loop3A_492, %parallel_loop3A_498 : i32
        %parallel_loop3A_500 = arith.extui %parallel_loop3A_499 : i1 to i32
        %parallel_loop3A_501 = arith.subi %parallel_loop3A_497, %parallel_loop3A_500 : i32
        %parallel_loop3A_502 = arith.constant 0 : i32
        %parallel_loop3A_503 = arith.cmpi sgt, %parallel_loop3A_493, %parallel_loop3A_502 : i32
        %parallel_loop3A_504 = arith.extui %parallel_loop3A_503 : i1 to i32
        %parallel_loop3A_505 = arith.constant 0 : i32
        %parallel_loop3A_506 = arith.cmpi slt, %parallel_loop3A_493, %parallel_loop3A_505 : i32
        %parallel_loop3A_507 = arith.extui %parallel_loop3A_506 : i1 to i32
        %parallel_loop3A_508 = arith.subi %parallel_loop3A_504, %parallel_loop3A_507 : i32
        %parallel_loop3A_509 = arith.cmpi ne, %parallel_loop3A_501, %parallel_loop3A_508 : i32
        %parallel_loop3A_510 = arith.remsi %parallel_loop3A_492, %parallel_loop3A_493 : i32
        %parallel_loop3A_511 = arith.constant 0 : i32
        %parallel_loop3A_512 = arith.cmpi ne, %parallel_loop3A_510, %parallel_loop3A_511 : i32
        %parallel_loop3A_513 = arith.andi %parallel_loop3A_509, %parallel_loop3A_512 : i1
        %parallel_loop3A_514 = arith.constant 1 : i32
        %parallel_loop3A_515 = arith.subi %parallel_loop3A_494, %parallel_loop3A_514 : i32
        %parallel_loop3A_516 = arith.select %parallel_loop3A_513, %parallel_loop3A_515, %parallel_loop3A_494 : i32
        %parallel_loop3A_517 = arith.constant 64 : i32
        %parallel_loop3A_518 = arith.constant 0 : i32
        %parallel_loop3A_519 = arith.cmpi eq, %parallel_loop3A_517, %parallel_loop3A_518 : i32
        %parallel_loop3A_520 = arith.constant 1 : i32
        %parallel_loop3A_521 = arith.select %parallel_loop3A_519, %parallel_loop3A_520, %parallel_loop3A_517 : i32
        %parallel_loop3A_522 = arith.remsi %parallel_loop3A_492, %parallel_loop3A_521 : i32
        %parallel_loop3A_523 = arith.constant 0 : i32
        %parallel_loop3A_524 = arith.cmpi ne, %parallel_loop3A_522, %parallel_loop3A_523 : i32
        %parallel_loop3A_525 = arith.constant 0 : i32
        %parallel_loop3A_526 = arith.cmpi slt, %parallel_loop3A_522, %parallel_loop3A_525 : i32
        %parallel_loop3A_527 = arith.constant 0 : i32
        %parallel_loop3A_528 = arith.cmpi slt, %parallel_loop3A_521, %parallel_loop3A_527 : i32
        %parallel_loop3A_529 = arith.xori %parallel_loop3A_526, %parallel_loop3A_528 : i1
        %parallel_loop3A_530 = arith.andi %parallel_loop3A_529, %parallel_loop3A_524 : i1
        %parallel_loop3A_531 = arith.addi %parallel_loop3A_522, %parallel_loop3A_521 : i32
        %parallel_loop3A_532 = arith.select %parallel_loop3A_530, %parallel_loop3A_531, %parallel_loop3A_522 : i32
        %parallel_loop3A_533 = arith.constant 16 : i32
        %parallel_loop3A_534 = arith.muli %parallel_loop3A_532, %parallel_loop3A_533 : i32
        %parallel_loop3A_535 = arith.constant 0 : i32
        %parallel_loop3A_536 = arith.index_cast %parallel_loop3A_535 : i32 to index
        %parallel_loop3A_537 = arith.index_cast %parallel_loop3A_516 : i32 to index
        %parallel_loop3A_538 = arith.index_cast %parallel_loop3A_534 : i32 to index
        %parallel_loop3A_539 = tpu.vector_load %arg6[%parallel_loop3A_536, %parallel_loop3A_537, %parallel_loop3A_538] {strides = array<i32>} : memref<4x4x1024xf32, #tpu.memory_space<vmem>>, vector<1x1x16xf32>,
        %parallel_loop3A_540 = vector.shape_cast %parallel_loop3A_539 : vector<1x1x16xf32> to vector<16xf32>
        %parallel_loop3A_541 = arith.constant 0 : i32
        %parallel_loop3A_542 = arith.constant 0 : i32
        %parallel_loop3A_543 = arith.index_cast %parallel_loop3A_541 : i32 to index
        %parallel_loop3A_544 = arith.index_cast %parallel_loop3A_516 : i32 to index
        %parallel_loop3A_545 = arith.index_cast %parallel_loop3A_542 : i32 to index
        %parallel_loop3A_546 = arith.index_cast %parallel_loop3A_534 : i32 to index
        %parallel_loop3A_547 = tpu.vector_load %arg5[%parallel_loop3A_543, %parallel_loop3A_544, %parallel_loop3A_545, %parallel_loop3A_546] {strides = array<i32>} : memref<4x4x4x1024xf32, #tpu.memory_space<vmem>>, vector<1x1x1x16xf32>,
        %parallel_loop3A_548 = vector.shape_cast %parallel_loop3A_547 : vector<1x1x1x16xf32> to vector<16xf32>
        %parallel_loop3A_549 = arith.addf %parallel_loop3A_548, %parallel_loop3A_540 : vector<16xf32>
        %parallel_loop3A_550 = arith.constant 0 : i32
        %parallel_loop3A_551 = arith.constant 0 : i32
        %parallel_loop3A_552 = arith.index_cast %parallel_loop3A_550 : i32 to index
        %parallel_loop3A_553 = arith.index_cast %parallel_loop3A_516 : i32 to index
        %parallel_loop3A_554 = arith.index_cast %parallel_loop3A_551 : i32 to index
        %parallel_loop3A_555 = arith.index_cast %parallel_loop3A_534 : i32 to index
        %parallel_loop3A_556 = tpu.vector_load %arg5[%parallel_loop3A_552, %parallel_loop3A_553, %parallel_loop3A_554, %parallel_loop3A_555] {strides = array<i32>} : memref<4x4x4x1024xf32, #tpu.memory_space<vmem>>, vector<1x1x1x16xf32>,
        %parallel_loop3A_557 = vector.shape_cast %parallel_loop3A_556 : vector<1x1x1x16xf32> to vector<16xf32>
        %parallel_loop3A_558 = vector.shape_cast %parallel_loop3A_549 : vector<16xf32> to vector<1x1x1x16xf32>
        tpu.vector_store %arg5[%parallel_loop3A_552, %parallel_loop3A_553, %parallel_loop3A_554, %parallel_loop3A_555], %parallel_loop3A_558 {strides = array<i32>} : memref<4x4x4x1024xf32, #tpu.memory_space<vmem>>, vector<1x1x1x16xf32>,
        %parallel_loop3A_559 = arith.constant 0 : i32
        %parallel_loop3A_560 = arith.constant 1 : i32
        %parallel_loop3A_561 = arith.index_cast %parallel_loop3A_559 : i32 to index
        %parallel_loop3A_562 = arith.index_cast %parallel_loop3A_516 : i32 to index
        %parallel_loop3A_563 = arith.index_cast %parallel_loop3A_560 : i32 to index
        %parallel_loop3A_564 = arith.index_cast %parallel_loop3A_534 : i32 to index
        %parallel_loop3A_565 = tpu.vector_load %arg5[%parallel_loop3A_561, %parallel_loop3A_562, %parallel_loop3A_563, %parallel_loop3A_564] {strides = array<i32>} : memref<4x4x4x1024xf32, #tpu.memory_space<vmem>>, vector<1x1x1x16xf32>,
        %parallel_loop3A_566 = vector.shape_cast %parallel_loop3A_565 : vector<1x1x1x16xf32> to vector<16xf32>
        %parallel_loop3A_567 = arith.addf %parallel_loop3A_566, %parallel_loop3A_540 : vector<16xf32>
        %parallel_loop3A_568 = arith.constant 0 : i32
        %parallel_loop3A_569 = arith.constant 1 : i32
        %parallel_loop3A_570 = arith.index_cast %parallel_loop3A_568 : i32 to index
        %parallel_loop3A_571 = arith.index_cast %parallel_loop3A_516 : i32 to index
        %parallel_loop3A_572 = arith.index_cast %parallel_loop3A_569 : i32 to index
        %parallel_loop3A_573 = arith.index_cast %parallel_loop3A_534 : i32 to index
        %parallel_loop3A_574 = tpu.vector_load %arg5[%parallel_loop3A_570, %parallel_loop3A_571, %parallel_loop3A_572, %parallel_loop3A_573] {strides = array<i32>} : memref<4x4x4x1024xf32, #tpu.memory_space<vmem>>, vector<1x1x1x16xf32>,
        %parallel_loop3A_575 = vector.shape_cast %parallel_loop3A_574 : vector<1x1x1x16xf32> to vector<16xf32>
        %parallel_loop3A_576 = vector.shape_cast %parallel_loop3A_567 : vector<16xf32> to vector<1x1x1x16xf32>
        tpu.vector_store %arg5[%parallel_loop3A_570, %parallel_loop3A_571, %parallel_loop3A_572, %parallel_loop3A_573], %parallel_loop3A_576 {strides = array<i32>} : memref<4x4x4x1024xf32, #tpu.memory_space<vmem>>, vector<1x1x1x16xf32>,
        %parallel_loop3A_577 = arith.constant 0 : i32
        %parallel_loop3A_578 = arith.constant 2 : i32
        %parallel_loop3A_579 = arith.index_cast %parallel_loop3A_577 : i32 to index
        %parallel_loop3A_580 = arith.index_cast %parallel_loop3A_516 : i32 to index
        %parallel_loop3A_581 = arith.index_cast %parallel_loop3A_578 : i32 to index
        %parallel_loop3A_582 = arith.index_cast %parallel_loop3A_534 : i32 to index
        %parallel_loop3A_583 = tpu.vector_load %arg5[%parallel_loop3A_579, %parallel_loop3A_580, %parallel_loop3A_581, %parallel_loop3A_582] {strides = array<i32>} : memref<4x4x4x1024xf32, #tpu.memory_space<vmem>>, vector<1x1x1x16xf32>,
        %parallel_loop3A_584 = vector.shape_cast %parallel_loop3A_583 : vector<1x1x1x16xf32> to vector<16xf32>
        %parallel_loop3A_585 = arith.addf %parallel_loop3A_584, %parallel_loop3A_540 : vector<16xf32>
        %parallel_loop3A_586 = arith.constant 0 : i32
        %parallel_loop3A_587 = arith.constant 2 : i32
        %parallel_loop3A_588 = arith.index_cast %parallel_loop3A_586 : i32 to index
        %parallel_loop3A_589 = arith.index_cast %parallel_loop3A_516 : i32 to index
        %parallel_loop3A_590 = arith.index_cast %parallel_loop3A_587 : i32 to index
        %parallel_loop3A_591 = arith.index_cast %parallel_loop3A_534 : i32 to index
        %parallel_loop3A_592 = tpu.vector_load %arg5[%parallel_loop3A_588, %parallel_loop3A_589, %parallel_loop3A_590, %parallel_loop3A_591] {strides = array<i32>} : memref<4x4x4x1024xf32, #tpu.memory_space<vmem>>, vector<1x1x1x16xf32>,
        %parallel_loop3A_593 = vector.shape_cast %parallel_loop3A_592 : vector<1x1x1x16xf32> to vector<16xf32>
        %parallel_loop3A_594 = vector.shape_cast %parallel_loop3A_585 : vector<16xf32> to vector<1x1x1x16xf32>
        tpu.vector_store %arg5[%parallel_loop3A_588, %parallel_loop3A_589, %parallel_loop3A_590, %parallel_loop3A_591], %parallel_loop3A_594 {strides = array<i32>} : memref<4x4x4x1024xf32, #tpu.memory_space<vmem>>, vector<1x1x1x16xf32>,
        %parallel_loop3A_595 = arith.constant 0 : i32
        %parallel_loop3A_596 = arith.constant 3 : i32
        %parallel_loop3A_597 = arith.index_cast %parallel_loop3A_595 : i32 to index
        %parallel_loop3A_598 = arith.index_cast %parallel_loop3A_516 : i32 to index
        %parallel_loop3A_599 = arith.index_cast %parallel_loop3A_596 : i32 to index
        %parallel_loop3A_600 = arith.index_cast %parallel_loop3A_534 : i32 to index
        %parallel_loop3A_601 = tpu.vector_load %arg5[%parallel_loop3A_597, %parallel_loop3A_598, %parallel_loop3A_599, %parallel_loop3A_600] {strides = array<i32>} : memref<4x4x4x1024xf32, #tpu.memory_space<vmem>>, vector<1x1x1x16xf32>,
        %parallel_loop3A_602 = vector.shape_cast %parallel_loop3A_601 : vector<1x1x1x16xf32> to vector<16xf32>
        %parallel_loop3A_603 = arith.addf %parallel_loop3A_602, %parallel_loop3A_540 : vector<16xf32>
        %parallel_loop3A_604 = arith.constant 0 : i32
        %parallel_loop3A_605 = arith.constant 3 : i32
        %parallel_loop3A_606 = arith.index_cast %parallel_loop3A_604 : i32 to index
        %parallel_loop3A_607 = arith.index_cast %parallel_loop3A_516 : i32 to index
        %parallel_loop3A_608 = arith.index_cast %parallel_loop3A_605 : i32 to index
        %parallel_loop3A_609 = arith.index_cast %parallel_loop3A_534 : i32 to index
        %parallel_loop3A_610 = tpu.vector_load %arg5[%parallel_loop3A_606, %parallel_loop3A_607, %parallel_loop3A_608, %parallel_loop3A_609] {strides = array<i32>} : memref<4x4x4x1024xf32, #tpu.memory_space<vmem>>, vector<1x1x1x16xf32>,
        %parallel_loop3A_611 = vector.shape_cast %parallel_loop3A_610 : vector<1x1x1x16xf32> to vector<16xf32>
        %parallel_loop3A_612 = vector.shape_cast %parallel_loop3A_603 : vector<16xf32> to vector<1x1x1x16xf32>
        tpu.vector_store %arg5[%parallel_loop3A_606, %parallel_loop3A_607, %parallel_loop3A_608, %parallel_loop3A_609], %parallel_loop3A_612 {strides = array<i32>} : memref<4x4x4x1024xf32, #tpu.memory_space<vmem>>, vector<1x1x1x16xf32>,
      } {sc.loop_unroll_factor = 4 : i64, sc.parallel_access}
      %mul3A_250 = arith.constant 4 : i32
      %mul3A_251 = arith.muli %add3A_214, %mul3A_250 : i32
      %add3A_252 = arith.addi %mul3A_2, %mul3A_251 : i32
      %dma_start3A_253 = arith.constant 0 : i32
      %dma_start3A_254 = arith.constant 0 : i32
      %dma_start3A_255 = arith.constant 0 : i32
      %dma_start3A_256 = arith.constant 0 : i32
      %dma_start3A_257 = tpu.memref_slice %arg5[%dma_start3A_253, %dma_start3A_254, %dma_start3A_255, %dma_start3A_256] : memref<4x4x4x1024xf32, #tpu.memory_space<vmem>> -> memref<1x4x4x1024xf32, #tpu.memory_space<vmem>>
      %dma_start3A_258 = tpu.memref_squeeze %dma_start3A_257 : memref<1x4x4x1024xf32, #tpu.memory_space<vmem>> -> memref<4x4x1024xf32, #tpu.memory_space<vmem>>
      %dma_start3A_259 = arith.constant 0 : i32
      %dma_start3A_260 = arith.constant 0 : i32
      %dma_start3A_261 = tpu.memref_slice %arg4[%add3A_252, %dma_start3A_259, %dma_start3A_260] : memref<2048x4x1024xf32, #tpu.memory_space<hbm>> -> memref<4x4x1024xf32, #tpu.memory_space<hbm>>
      %dma_start3A_262 = arith.constant 0 : i32
      %dma_start3A_263 = arith.constant 0 : i32
      %dma_start3A_264 = tpu.memref_slice %arg4[%add3A_252, %dma_start3A_262, %dma_start3A_263] : memref<2048x4x1024xf32, #tpu.memory_space<hbm>> -> memref<4x4x1024xf32, #tpu.memory_space<hbm>>
      %dma_start3A_265 = arith.constant 0 : i32
      %dma_start3A_266 = arith.constant 0 : i32
      %dma_start3A_267 = arith.constant 0 : i32
      %dma_start3A_268 = tpu.memref_slice %arg5[%dma_start3A_253, %dma_start3A_265, %dma_start3A_266, %dma_start3A_267] : memref<4x4x4x1024xf32, #tpu.memory_space<vmem>> -> memref<1x4x4x1024xf32, #tpu.memory_space<vmem>>
      %dma_start3A_269 = tpu.memref_squeeze %dma_start3A_268 : memref<1x4x4x1024xf32, #tpu.memory_space<vmem>> -> memref<4x4x1024xf32, #tpu.memory_space<vmem>>
      tpu.enqueue_dma source(%dma_start3A_269 : memref<4x4x1024xf32, #tpu.memory_space<vmem>>) target(%dma_start3A_264 : memref<4x4x1024xf32, #tpu.memory_space<hbm>>) target_semaphore(%arg15 : memref<!tpu.dma_semaphore, #tpu.memory_space<semaphore_mem>>)
      %sub3A = arith.constant 2 : i32
      %sub3A_270 = arith.subi %add3A_214, %sub3A : i32
      %ge3A = arith.constant 0 : i32
      %ge3A_271 = arith.cmpi sge, %sub3A_270, %ge3A : i32
      %add3A_272 = arith.constant 2 : i32
      %add3A_273 = arith.addi %add3A_214, %add3A_272 : i32
      %lt3A = arith.constant 16 : i32
      %lt3A_274 = arith.cmpi slt, %add3A_273, %lt3A : i32
      %and3A = arith.andi %ge3A_271, %lt3A_274 : i1
      %convert_element_type3A = arith.extui %and3A : i1 to i32
      %cond3A = arith.constant 0 : i32
      %cond3A_275 = arith.cmpi ne, %convert_element_type3A, %cond3A : i32
      scf.if %cond3A_275 {
        %sub3A_492 = arith.constant 2 : i32
        %sub3A_493 = arith.subi %add3A_214, %sub3A_492 : i32
        %mul3A_494 = arith.constant 4 : i32
        %mul3A_495 = arith.muli %sub3A_493, %mul3A_494 : i32
        %add3A_496 = arith.addi %mul3A_2, %mul3A_495 : i32
        %dma_wait3A_497 = arith.constant 2 : i32
        %dma_wait3A_498 = arith.constant 0 : i32
        %dma_wait3A_499 = arith.constant 0 : i32
        %dma_wait3A_500 = arith.constant 0 : i32
        %dma_wait3A_501 = tpu.memref_slice %arg5[%dma_wait3A_497, %dma_wait3A_498, %dma_wait3A_499, %dma_wait3A_500] : memref<4x4x4x1024xf32, #tpu.memory_space<vmem>> -> memref<1x4x4x1024xf32, #tpu.memory_space<vmem>>
        %dma_wait3A_502 = tpu.memref_squeeze %dma_wait3A_501 : memref<1x4x4x1024xf32, #tpu.memory_space<vmem>> -> memref<4x4x1024xf32, #tpu.memory_space<vmem>>
        %dma_wait3A_503 = arith.constant 0 : i32
        %dma_wait3A_504 = arith.constant 0 : i32
        %dma_wait3A_505 = tpu.memref_slice %arg4[%add3A_496, %dma_wait3A_503, %dma_wait3A_504] : memref<2048x4x1024xf32, #tpu.memory_space<hbm>> -> memref<4x4x1024xf32, #tpu.memory_space<hbm>>
        %dma_wait3A_506 = arith.constant 0 : i32
        %dma_wait3A_507 = arith.constant 0 : i32
        %dma_wait3A_508 = tpu.memref_slice %arg4[%add3A_496, %dma_wait3A_506, %dma_wait3A_507] : memref<2048x4x1024xf32, #tpu.memory_space<hbm>> -> memref<4x4x1024xf32, #tpu.memory_space<hbm>>
        %dma_wait3A_509 = arith.constant 0 : i32
        %dma_wait3A_510 = arith.constant 0 : i32
        %dma_wait3A_511 = arith.constant 0 : i32
        %dma_wait3A_512 = tpu.memref_slice %arg5[%dma_wait3A_497, %dma_wait3A_509, %dma_wait3A_510, %dma_wait3A_511] : memref<4x4x4x1024xf32, #tpu.memory_space<vmem>> -> memref<1x4x4x1024xf32, #tpu.memory_space<vmem>>
        %dma_wait3A_513 = tpu.memref_squeeze %dma_wait3A_512 : memref<1x4x4x1024xf32, #tpu.memory_space<vmem>> -> memref<4x4x1024xf32, #tpu.memory_space<vmem>>
        tpu.wait_dma2 semaphore(%arg17 : memref<!tpu.dma_semaphore, #tpu.memory_space<semaphore_mem>>) src(%dma_wait3A_513 : memref<4x4x1024xf32, #tpu.memory_space<vmem>>) dst(%dma_wait3A_508 : memref<4x4x1024xf32, #tpu.memory_space<hbm>>)
        %add3A_514 = arith.constant 2 : i32
        %add3A_515 = arith.addi %add3A_214, %add3A_514 : i32
        %mul3A_516 = arith.constant 4 : i32
        %mul3A_517 = arith.muli %add3A_515, %mul3A_516 : i32
        %add3A_518 = arith.addi %mul3A_2, %mul3A_517 : i32
        %dma_start3A_519 = arith.constant 2 : i32
        %dma_start3A_520 = arith.constant 0 : i32
        %dma_start3A_521 = arith.constant 0 : i32
        %dma_start3A_522 = arith.constant 0 : i32
        %dma_start3A_523 = tpu.memref_slice %arg5[%dma_start3A_519, %dma_start3A_520, %dma_start3A_521, %dma_start3A_522] : memref<4x4x4x1024xf32, #tpu.memory_space<vmem>> -> memref<1x4x4x1024xf32, #tpu.memory_space<vmem>>
        %dma_start3A_524 = tpu.memref_squeeze %dma_start3A_523 : memref<1x4x4x1024xf32, #tpu.memory_space<vmem>> -> memref<4x4x1024xf32, #tpu.memory_space<vmem>>
        %dma_start3A_525 = arith.constant 0 : i32
        %dma_start3A_526 = arith.constant 0 : i32
        %dma_start3A_527 = tpu.memref_slice %arg2[%add3A_518, %dma_start3A_525, %dma_start3A_526] : memref<2048x4x1024xf32, #tpu.memory_space<hbm>> -> memref<4x4x1024xf32, #tpu.memory_space<hbm>>
        %dma_start3A_528 = arith.constant 0 : i32
        %dma_start3A_529 = arith.constant 0 : i32
        %dma_start3A_530 = arith.constant 0 : i32
        %dma_start3A_531 = tpu.memref_slice %arg5[%dma_start3A_519, %dma_start3A_528, %dma_start3A_529, %dma_start3A_530] : memref<4x4x4x1024xf32, #tpu.memory_space<vmem>> -> memref<1x4x4x1024xf32, #tpu.memory_space<vmem>>
        %dma_start3A_532 = tpu.memref_squeeze %dma_start3A_531 : memref<1x4x4x1024xf32, #tpu.memory_space<vmem>> -> memref<4x4x1024xf32, #tpu.memory_space<vmem>>
        %dma_start3A_533 = arith.constant 0 : i32
        %dma_start3A_534 = arith.constant 0 : i32
        %dma_start3A_535 = tpu.memref_slice %arg2[%add3A_518, %dma_start3A_533, %dma_start3A_534] : memref<2048x4x1024xf32, #tpu.memory_space<hbm>> -> memref<4x4x1024xf32, #tpu.memory_space<hbm>>
        tpu.enqueue_dma source(%dma_start3A_535 : memref<4x4x1024xf32, #tpu.memory_space<hbm>>) target(%dma_start3A_532 : memref<4x4x1024xf32, #tpu.memory_space<vmem>>) target_semaphore(%arg9 : memref<!tpu.dma_semaphore, #tpu.memory_space<semaphore_mem>>)
        %dma_start3A_536 = arith.constant 2 : i32
        %dma_start3A_537 = arith.constant 0 : i32
        %dma_start3A_538 = arith.constant 0 : i32
        %dma_start3A_539 = tpu.memref_slice %arg6[%dma_start3A_536, %dma_start3A_537, %dma_start3A_538] : memref<4x4x1024xf32, #tpu.memory_space<vmem>> -> memref<1x4x1024xf32, #tpu.memory_space<vmem>>
        %dma_start3A_540 = tpu.memref_squeeze %dma_start3A_539 : memref<1x4x1024xf32, #tpu.memory_space<vmem>> -> memref<4x1024xf32, #tpu.memory_space<vmem>>
        %dma_start3A_541 = arith.constant 0 : i32
        %dma_start3A_542 = tpu.memref_slice %arg3[%add3A_518, %dma_start3A_541] : memref<2048x1024xf32, #tpu.memory_space<hbm>> -> memref<4x1024xf32, #tpu.memory_space<hbm>>
        %dma_start3A_543 = arith.constant 0 : i32
        %dma_start3A_544 = arith.constant 0 : i32
        %dma_start3A_545 = tpu.memref_slice %arg6[%dma_start3A_536, %dma_start3A_543, %dma_start3A_544] : memref<4x4x1024xf32, #tpu.memory_space<vmem>> -> memref<1x4x1024xf32, #tpu.memory_space<vmem>>
        %dma_start3A_546 = tpu.memref_squeeze %dma_start3A_545 : memref<1x4x1024xf32, #tpu.memory_space<vmem>> -> memref<4x1024xf32, #tpu.memory_space<vmem>>
        %dma_start3A_547 = arith.constant 0 : i32
        %dma_start3A_548 = tpu.memref_slice %arg3[%add3A_518, %dma_start3A_547] : memref<2048x1024xf32, #tpu.memory_space<hbm>> -> memref<4x1024xf32, #tpu.memory_space<hbm>>
        tpu.enqueue_dma source(%dma_start3A_548 : memref<4x1024xf32, #tpu.memory_space<hbm>>) target(%dma_start3A_546 : memref<4x1024xf32, #tpu.memory_space<vmem>>) target_semaphore(%arg13 : memref<!tpu.dma_semaphore, #tpu.memory_space<semaphore_mem>>)
      } else {
      }
      %mul3A_276 = arith.constant 4 : i32
      %mul3A_277 = arith.muli %scan3A_210, %mul3A_276 : i32
      %add3A_278 = arith.constant 1 : i32
      %add3A_279 = arith.addi %mul3A_277, %add3A_278 : i32
      %mul3A_280 = arith.constant 4 : i32
      %mul3A_281 = arith.muli %add3A_279, %mul3A_280 : i32
      %add3A_282 = arith.addi %mul3A_2, %mul3A_281 : i32
      %dma_wait3A_283 = arith.constant 1 : i32
      %dma_wait3A_284 = arith.constant 0 : i32
      %dma_wait3A_285 = arith.constant 0 : i32
      %dma_wait3A_286 = arith.constant 0 : i32
      %dma_wait3A_287 = tpu.memref_slice %arg5[%dma_wait3A_283, %dma_wait3A_284, %dma_wait3A_285, %dma_wait3A_286] : memref<4x4x4x1024xf32, #tpu.memory_space<vmem>> -> memref<1x4x4x1024xf32, #tpu.memory_space<vmem>>
      %dma_wait3A_288 = tpu.memref_squeeze %dma_wait3A_287 : memref<1x4x4x1024xf32, #tpu.memory_space<vmem>> -> memref<4x4x1024xf32, #tpu.memory_space<vmem>>
      %dma_wait3A_289 = arith.constant 0 : i32
      %dma_wait3A_290 = arith.constant 0 : i32
      %dma_wait3A_291 = tpu.memref_slice %arg2[%add3A_282, %dma_wait3A_289, %dma_wait3A_290] : memref<2048x4x1024xf32, #tpu.memory_space<hbm>> -> memref<4x4x1024xf32, #tpu.memory_space<hbm>>
      %dma_wait3A_292 = arith.constant 0 : i32
      %dma_wait3A_293 = arith.constant 0 : i32
      %dma_wait3A_294 = arith.constant 0 : i32
      %dma_wait3A_295 = tpu.memref_slice %arg5[%dma_wait3A_283, %dma_wait3A_292, %dma_wait3A_293, %dma_wait3A_294] : memref<4x4x4x1024xf32, #tpu.memory_space<vmem>> -> memref<1x4x4x1024xf32, #tpu.memory_space<vmem>>
      %dma_wait3A_296 = tpu.memref_squeeze %dma_wait3A_295 : memref<1x4x4x1024xf32, #tpu.memory_space<vmem>> -> memref<4x4x1024xf32, #tpu.memory_space<vmem>>
      %dma_wait3A_297 = arith.constant 0 : i32
      %dma_wait3A_298 = arith.constant 0 : i32
      %dma_wait3A_299 = tpu.memref_slice %arg2[%add3A_282, %dma_wait3A_297, %dma_wait3A_298] : memref<2048x4x1024xf32, #tpu.memory_space<hbm>> -> memref<4x4x1024xf32, #tpu.memory_space<hbm>>
      tpu.wait_dma2 semaphore(%arg8 : memref<!tpu.dma_semaphore, #tpu.memory_space<semaphore_mem>>) src(%dma_wait3A_299 : memref<4x4x1024xf32, #tpu.memory_space<hbm>>) dst(%dma_wait3A_296 : memref<4x4x1024xf32, #tpu.memory_space<vmem>>)
      %dma_wait3A_300 = arith.constant 1 : i32
      %dma_wait3A_301 = arith.constant 0 : i32
      %dma_wait3A_302 = arith.constant 0 : i32
      %dma_wait3A_303 = tpu.memref_slice %arg6[%dma_wait3A_300, %dma_wait3A_301, %dma_wait3A_302] : memref<4x4x1024xf32, #tpu.memory_space<vmem>> -> memref<1x4x1024xf32, #tpu.memory_space<vmem>>
      %dma_wait3A_304 = tpu.memref_squeeze %dma_wait3A_303 : memref<1x4x1024xf32, #tpu.memory_space<vmem>> -> memref<4x1024xf32, #tpu.memory_space<vmem>>
      %dma_wait3A_305 = arith.constant 0 : i32
      %dma_wait3A_306 = tpu.memref_slice %arg3[%add3A_282, %dma_wait3A_305] : memref<2048x1024xf32, #tpu.memory_space<hbm>> -> memref<4x1024xf32, #tpu.memory_space<hbm>>
      %dma_wait3A_307 = arith.constant 0 : i32
      %dma_wait3A_308 = arith.constant 0 : i32
      %dma_wait3A_309 = tpu.memref_slice %arg6[%dma_wait3A_300, %dma_wait3A_307, %dma_wait3A_308] : memref<4x4x1024xf32, #tpu.memory_space<vmem>> -> memref<1x4x1024xf32, #tpu.memory_space<vmem>>
      %dma_wait3A_310 = tpu.memref_squeeze %dma_wait3A_309 : memref<1x4x1024xf32, #tpu.memory_space<vmem>> -> memref<4x1024xf32, #tpu.memory_space<vmem>>
      %dma_wait3A_311 = arith.constant 0 : i32
      %dma_wait3A_312 = tpu.memref_slice %arg3[%add3A_282, %dma_wait3A_311] : memref<2048x1024xf32, #tpu.memory_space<hbm>> -> memref<4x1024xf32, #tpu.memory_space<hbm>>
      tpu.wait_dma2 semaphore(%arg12 : memref<!tpu.dma_semaphore, #tpu.memory_space<semaphore_mem>>) src(%dma_wait3A_312 : memref<4x1024xf32, #tpu.memory_space<hbm>>) dst(%dma_wait3A_310 : memref<4x1024xf32, #tpu.memory_space<vmem>>)
      %parallel_loop3A_313 = arith.constant 0 : i32
      %parallel_loop3A_314 = arith.constant 256 : i32
      %parallel_loop3A_315 = arith.constant 1 : i32
      scf.for %parallel_loop3A_492 = %parallel_loop3A_313 to %parallel_loop3A_314 step %parallel_loop3A_315  : i32 {
        %parallel_loop3A_493 = arith.constant 64 : i32
        %parallel_loop3A_494 = arith.divsi %parallel_loop3A_492, %parallel_loop3A_493 : i32
        %parallel_loop3A_495 = arith.constant 0 : i32
        %parallel_loop3A_496 = arith.cmpi sgt, %parallel_loop3A_492, %parallel_loop3A_495 : i32
        %parallel_loop3A_497 = arith.extui %parallel_loop3A_496 : i1 to i32
        %parallel_loop3A_498 = arith.constant 0 : i32
        %parallel_loop3A_499 = arith.cmpi slt, %parallel_loop3A_492, %parallel_loop3A_498 : i32
        %parallel_loop3A_500 = arith.extui %parallel_loop3A_499 : i1 to i32
        %parallel_loop3A_501 = arith.subi %parallel_loop3A_497, %parallel_loop3A_500 : i32
        %parallel_loop3A_502 = arith.constant 0 : i32
        %parallel_loop3A_503 = arith.cmpi sgt, %parallel_loop3A_493, %parallel_loop3A_502 : i32
        %parallel_loop3A_504 = arith.extui %parallel_loop3A_503 : i1 to i32
        %parallel_loop3A_505 = arith.constant 0 : i32
        %parallel_loop3A_506 = arith.cmpi slt, %parallel_loop3A_493, %parallel_loop3A_505 : i32
        %parallel_loop3A_507 = arith.extui %parallel_loop3A_506 : i1 to i32
        %parallel_loop3A_508 = arith.subi %parallel_loop3A_504, %parallel_loop3A_507 : i32
        %parallel_loop3A_509 = arith.cmpi ne, %parallel_loop3A_501, %parallel_loop3A_508 : i32
        %parallel_loop3A_510 = arith.remsi %parallel_loop3A_492, %parallel_loop3A_493 : i32
        %parallel_loop3A_511 = arith.constant 0 : i32
        %parallel_loop3A_512 = arith.cmpi ne, %parallel_loop3A_510, %parallel_loop3A_511 : i32
        %parallel_loop3A_513 = arith.andi %parallel_loop3A_509, %parallel_loop3A_512 : i1
        %parallel_loop3A_514 = arith.constant 1 : i32
        %parallel_loop3A_515 = arith.subi %parallel_loop3A_494, %parallel_loop3A_514 : i32
        %parallel_loop3A_516 = arith.select %parallel_loop3A_513, %parallel_loop3A_515, %parallel_loop3A_494 : i32
        %parallel_loop3A_517 = arith.constant 64 : i32
        %parallel_loop3A_518 = arith.constant 0 : i32
        %parallel_loop3A_519 = arith.cmpi eq, %parallel_loop3A_517, %parallel_loop3A_518 : i32
        %parallel_loop3A_520 = arith.constant 1 : i32
        %parallel_loop3A_521 = arith.select %parallel_loop3A_519, %parallel_loop3A_520, %parallel_loop3A_517 : i32
        %parallel_loop3A_522 = arith.remsi %parallel_loop3A_492, %parallel_loop3A_521 : i32
        %parallel_loop3A_523 = arith.constant 0 : i32
        %parallel_loop3A_524 = arith.cmpi ne, %parallel_loop3A_522, %parallel_loop3A_523 : i32
        %parallel_loop3A_525 = arith.constant 0 : i32
        %parallel_loop3A_526 = arith.cmpi slt, %parallel_loop3A_522, %parallel_loop3A_525 : i32
        %parallel_loop3A_527 = arith.constant 0 : i32
        %parallel_loop3A_528 = arith.cmpi slt, %parallel_loop3A_521, %parallel_loop3A_527 : i32
        %parallel_loop3A_529 = arith.xori %parallel_loop3A_526, %parallel_loop3A_528 : i1
        %parallel_loop3A_530 = arith.andi %parallel_loop3A_529, %parallel_loop3A_524 : i1
        %parallel_loop3A_531 = arith.addi %parallel_loop3A_522, %parallel_loop3A_521 : i32
        %parallel_loop3A_532 = arith.select %parallel_loop3A_530, %parallel_loop3A_531, %parallel_loop3A_522 : i32
        %parallel_loop3A_533 = arith.constant 16 : i32
        %parallel_loop3A_534 = arith.muli %parallel_loop3A_532, %parallel_loop3A_533 : i32
        %parallel_loop3A_535 = arith.constant 1 : i32
        %parallel_loop3A_536 = arith.index_cast %parallel_loop3A_535 : i32 to index
        %parallel_loop3A_537 = arith.index_cast %parallel_loop3A_516 : i32 to index
        %parallel_loop3A_538 = arith.index_cast %parallel_loop3A_534 : i32 to index
        %parallel_loop3A_539 = tpu.vector_load %arg6[%parallel_loop3A_536, %parallel_loop3A_537, %parallel_loop3A_538] {strides = array<i32>} : memref<4x4x1024xf32, #tpu.memory_space<vmem>>, vector<1x1x16xf32>,
        %parallel_loop3A_540 = vector.shape_cast %parallel_loop3A_539 : vector<1x1x16xf32> to vector<16xf32>
        %parallel_loop3A_541 = arith.constant 1 : i32
        %parallel_loop3A_542 = arith.constant 0 : i32
        %parallel_loop3A_543 = arith.index_cast %parallel_loop3A_541 : i32 to index
        %parallel_loop3A_544 = arith.index_cast %parallel_loop3A_516 : i32 to index
        %parallel_loop3A_545 = arith.index_cast %parallel_loop3A_542 : i32 to index
        %parallel_loop3A_546 = arith.index_cast %parallel_loop3A_534 : i32 to index
        %parallel_loop3A_547 = tpu.vector_load %arg5[%parallel_loop3A_543, %parallel_loop3A_544, %parallel_loop3A_545, %parallel_loop3A_546] {strides = array<i32>} : memref<4x4x4x1024xf32, #tpu.memory_space<vmem>>, vector<1x1x1x16xf32>,
        %parallel_loop3A_548 = vector.shape_cast %parallel_loop3A_547 : vector<1x1x1x16xf32> to vector<16xf32>
        %parallel_loop3A_549 = arith.addf %parallel_loop3A_548, %parallel_loop3A_540 : vector<16xf32>
        %parallel_loop3A_550 = arith.constant 1 : i32
        %parallel_loop3A_551 = arith.constant 0 : i32
        %parallel_loop3A_552 = arith.index_cast %parallel_loop3A_550 : i32 to index
        %parallel_loop3A_553 = arith.index_cast %parallel_loop3A_516 : i32 to index
        %parallel_loop3A_554 = arith.index_cast %parallel_loop3A_551 : i32 to index
        %parallel_loop3A_555 = arith.index_cast %parallel_loop3A_534 : i32 to index
        %parallel_loop3A_556 = tpu.vector_load %arg5[%parallel_loop3A_552, %parallel_loop3A_553, %parallel_loop3A_554, %parallel_loop3A_555] {strides = array<i32>} : memref<4x4x4x1024xf32, #tpu.memory_space<vmem>>, vector<1x1x1x16xf32>,
        %parallel_loop3A_557 = vector.shape_cast %parallel_loop3A_556 : vector<1x1x1x16xf32> to vector<16xf32>
        %parallel_loop3A_558 = vector.shape_cast %parallel_loop3A_549 : vector<16xf32> to vector<1x1x1x16xf32>
        tpu.vector_store %arg5[%parallel_loop3A_552, %parallel_loop3A_553, %parallel_loop3A_554, %parallel_loop3A_555], %parallel_loop3A_558 {strides = array<i32>} : memref<4x4x4x1024xf32, #tpu.memory_space<vmem>>, vector<1x1x1x16xf32>,
        %parallel_loop3A_559 = arith.constant 1 : i32
        %parallel_loop3A_560 = arith.constant 1 : i32
        %parallel_loop3A_561 = arith.index_cast %parallel_loop3A_559 : i32 to index
        %parallel_loop3A_562 = arith.index_cast %parallel_loop3A_516 : i32 to index
        %parallel_loop3A_563 = arith.index_cast %parallel_loop3A_560 : i32 to index
        %parallel_loop3A_564 = arith.index_cast %parallel_loop3A_534 : i32 to index
        %parallel_loop3A_565 = tpu.vector_load %arg5[%parallel_loop3A_561, %parallel_loop3A_562, %parallel_loop3A_563, %parallel_loop3A_564] {strides = array<i32>} : memref<4x4x4x1024xf32, #tpu.memory_space<vmem>>, vector<1x1x1x16xf32>,
        %parallel_loop3A_566 = vector.shape_cast %parallel_loop3A_565 : vector<1x1x1x16xf32> to vector<16xf32>
        %parallel_loop3A_567 = arith.addf %parallel_loop3A_566, %parallel_loop3A_540 : vector<16xf32>
        %parallel_loop3A_568 = arith.constant 1 : i32
        %parallel_loop3A_569 = arith.constant 1 : i32
        %parallel_loop3A_570 = arith.index_cast %parallel_loop3A_568 : i32 to index
        %parallel_loop3A_571 = arith.index_cast %parallel_loop3A_516 : i32 to index
        %parallel_loop3A_572 = arith.index_cast %parallel_loop3A_569 : i32 to index
        %parallel_loop3A_573 = arith.index_cast %parallel_loop3A_534 : i32 to index
        %parallel_loop3A_574 = tpu.vector_load %arg5[%parallel_loop3A_570, %parallel_loop3A_571, %parallel_loop3A_572, %parallel_loop3A_573] {strides = array<i32>} : memref<4x4x4x1024xf32, #tpu.memory_space<vmem>>, vector<1x1x1x16xf32>,
        %parallel_loop3A_575 = vector.shape_cast %parallel_loop3A_574 : vector<1x1x1x16xf32> to vector<16xf32>
        %parallel_loop3A_576 = vector.shape_cast %parallel_loop3A_567 : vector<16xf32> to vector<1x1x1x16xf32>
        tpu.vector_store %arg5[%parallel_loop3A_570, %parallel_loop3A_571, %parallel_loop3A_572, %parallel_loop3A_573], %parallel_loop3A_576 {strides = array<i32>} : memref<4x4x4x1024xf32, #tpu.memory_space<vmem>>, vector<1x1x1x16xf32>,
        %parallel_loop3A_577 = arith.constant 1 : i32
        %parallel_loop3A_578 = arith.constant 2 : i32
        %parallel_loop3A_579 = arith.index_cast %parallel_loop3A_577 : i32 to index
        %parallel_loop3A_580 = arith.index_cast %parallel_loop3A_516 : i32 to index
        %parallel_loop3A_581 = arith.index_cast %parallel_loop3A_578 : i32 to index
        %parallel_loop3A_582 = arith.index_cast %parallel_loop3A_534 : i32 to index
        %parallel_loop3A_583 = tpu.vector_load %arg5[%parallel_loop3A_579, %parallel_loop3A_580, %parallel_loop3A_581, %parallel_loop3A_582] {strides = array<i32>} : memref<4x4x4x1024xf32, #tpu.memory_space<vmem>>, vector<1x1x1x16xf32>,
        %parallel_loop3A_584 = vector.shape_cast %parallel_loop3A_583 : vector<1x1x1x16xf32> to vector<16xf32>
        %parallel_loop3A_585 = arith.addf %parallel_loop3A_584, %parallel_loop3A_540 : vector<16xf32>
        %parallel_loop3A_586 = arith.constant 1 : i32
        %parallel_loop3A_587 = arith.constant 2 : i32
        %parallel_loop3A_588 = arith.index_cast %parallel_loop3A_586 : i32 to index
        %parallel_loop3A_589 = arith.index_cast %parallel_loop3A_516 : i32 to index
        %parallel_loop3A_590 = arith.index_cast %parallel_loop3A_587 : i32 to index
        %parallel_loop3A_591 = arith.index_cast %parallel_loop3A_534 : i32 to index
        %parallel_loop3A_592 = tpu.vector_load %arg5[%parallel_loop3A_588, %parallel_loop3A_589, %parallel_loop3A_590, %parallel_loop3A_591] {strides = array<i32>} : memref<4x4x4x1024xf32, #tpu.memory_space<vmem>>, vector<1x1x1x16xf32>,
        %parallel_loop3A_593 = vector.shape_cast %parallel_loop3A_592 : vector<1x1x1x16xf32> to vector<16xf32>
        %parallel_loop3A_594 = vector.shape_cast %parallel_loop3A_585 : vector<16xf32> to vector<1x1x1x16xf32>
        tpu.vector_store %arg5[%parallel_loop3A_588, %parallel_loop3A_589, %parallel_loop3A_590, %parallel_loop3A_591], %parallel_loop3A_594 {strides = array<i32>} : memref<4x4x4x1024xf32, #tpu.memory_space<vmem>>, vector<1x1x1x16xf32>,
        %parallel_loop3A_595 = arith.constant 1 : i32
        %parallel_loop3A_596 = arith.constant 3 : i32
        %parallel_loop3A_597 = arith.index_cast %parallel_loop3A_595 : i32 to index
        %parallel_loop3A_598 = arith.index_cast %parallel_loop3A_516 : i32 to index
        %parallel_loop3A_599 = arith.index_cast %parallel_loop3A_596 : i32 to index
        %parallel_loop3A_600 = arith.index_cast %parallel_loop3A_534 : i32 to index
        %parallel_loop3A_601 = tpu.vector_load %arg5[%parallel_loop3A_597, %parallel_loop3A_598, %parallel_loop3A_599, %parallel_loop3A_600] {strides = array<i32>} : memref<4x4x4x1024xf32, #tpu.memory_space<vmem>>, vector<1x1x1x16xf32>,
        %parallel_loop3A_602 = vector.shape_cast %parallel_loop3A_601 : vector<1x1x1x16xf32> to vector<16xf32>
        %parallel_loop3A_603 = arith.addf %parallel_loop3A_602, %parallel_loop3A_540 : vector<16xf32>
        %parallel_loop3A_604 = arith.constant 1 : i32
        %parallel_loop3A_605 = arith.constant 3 : i32
        %parallel_loop3A_606 = arith.index_cast %parallel_loop3A_604 : i32 to index
        %parallel_loop3A_607 = arith.index_cast %parallel_loop3A_516 : i32 to index
        %parallel_loop3A_608 = arith.index_cast %parallel_loop3A_605 : i32 to index
        %parallel_loop3A_609 = arith.index_cast %parallel_loop3A_534 : i32 to index
        %parallel_loop3A_610 = tpu.vector_load %arg5[%parallel_loop3A_606, %parallel_loop3A_607, %parallel_loop3A_608, %parallel_loop3A_609] {strides = array<i32>} : memref<4x4x4x1024xf32, #tpu.memory_space<vmem>>, vector<1x1x1x16xf32>,
        %parallel_loop3A_611 = vector.shape_cast %parallel_loop3A_610 : vector<1x1x1x16xf32> to vector<16xf32>
        %parallel_loop3A_612 = vector.shape_cast %parallel_loop3A_603 : vector<16xf32> to vector<1x1x1x16xf32>
        tpu.vector_store %arg5[%parallel_loop3A_606, %parallel_loop3A_607, %parallel_loop3A_608, %parallel_loop3A_609], %parallel_loop3A_612 {strides = array<i32>} : memref<4x4x4x1024xf32, #tpu.memory_space<vmem>>, vector<1x1x1x16xf32>,
      } {sc.loop_unroll_factor = 4 : i64, sc.parallel_access}
      %mul3A_316 = arith.constant 4 : i32
      %mul3A_317 = arith.muli %add3A_279, %mul3A_316 : i32
      %add3A_318 = arith.addi %mul3A_2, %mul3A_317 : i32
      %dma_start3A_319 = arith.constant 1 : i32
      %dma_start3A_320 = arith.constant 0 : i32
      %dma_start3A_321 = arith.constant 0 : i32
      %dma_start3A_322 = arith.constant 0 : i32
      %dma_start3A_323 = tpu.memref_slice %arg5[%dma_start3A_319, %dma_start3A_320, %dma_start3A_321, %dma_start3A_322] : memref<4x4x4x1024xf32, #tpu.memory_space<vmem>> -> memref<1x4x4x1024xf32, #tpu.memory_space<vmem>>
      %dma_start3A_324 = tpu.memref_squeeze %dma_start3A_323 : memref<1x4x4x1024xf32, #tpu.memory_space<vmem>> -> memref<4x4x1024xf32, #tpu.memory_space<vmem>>
      %dma_start3A_325 = arith.constant 0 : i32
      %dma_start3A_326 = arith.constant 0 : i32
      %dma_start3A_327 = tpu.memref_slice %arg4[%add3A_318, %dma_start3A_325, %dma_start3A_326] : memref<2048x4x1024xf32, #tpu.memory_space<hbm>> -> memref<4x4x1024xf32, #tpu.memory_space<hbm>>
      %dma_start3A_328 = arith.constant 0 : i32
      %dma_start3A_329 = arith.constant 0 : i32
      %dma_start3A_330 = tpu.memref_slice %arg4[%add3A_318, %dma_start3A_328, %dma_start3A_329] : memref<2048x4x1024xf32, #tpu.memory_space<hbm>> -> memref<4x4x1024xf32, #tpu.memory_space<hbm>>
      %dma_start3A_331 = arith.constant 0 : i32
      %dma_start3A_332 = arith.constant 0 : i32
      %dma_start3A_333 = arith.constant 0 : i32
      %dma_start3A_334 = tpu.memref_slice %arg5[%dma_start3A_319, %dma_start3A_331, %dma_start3A_332, %dma_start3A_333] : memref<4x4x4x1024xf32, #tpu.memory_space<vmem>> -> memref<1x4x4x1024xf32, #tpu.memory_space<vmem>>
      %dma_start3A_335 = tpu.memref_squeeze %dma_start3A_334 : memref<1x4x4x1024xf32, #tpu.memory_space<vmem>> -> memref<4x4x1024xf32, #tpu.memory_space<vmem>>
      tpu.enqueue_dma source(%dma_start3A_335 : memref<4x4x1024xf32, #tpu.memory_space<vmem>>) target(%dma_start3A_330 : memref<4x4x1024xf32, #tpu.memory_space<hbm>>) target_semaphore(%arg16 : memref<!tpu.dma_semaphore, #tpu.memory_space<semaphore_mem>>)
      %sub3A_336 = arith.constant 2 : i32
      %sub3A_337 = arith.subi %add3A_279, %sub3A_336 : i32
      %ge3A_338 = arith.constant 0 : i32
      %ge3A_339 = arith.cmpi sge, %sub3A_337, %ge3A_338 : i32
      %add3A_340 = arith.constant 2 : i32
      %add3A_341 = arith.addi %add3A_279, %add3A_340 : i32
      %lt3A_342 = arith.constant 16 : i32
      %lt3A_343 = arith.cmpi slt, %add3A_341, %lt3A_342 : i32
      %and3A_344 = arith.andi %ge3A_339, %lt3A_343 : i1
      %convert_element_type3A_345 = arith.extui %and3A_344 : i1 to i32
      %cond3A_346 = arith.constant 0 : i32
      %cond3A_347 = arith.cmpi ne, %convert_element_type3A_345, %cond3A_346 : i32
      scf.if %cond3A_347 {
        %sub3A_492 = arith.constant 2 : i32
        %sub3A_493 = arith.subi %add3A_279, %sub3A_492 : i32
        %mul3A_494 = arith.constant 4 : i32
        %mul3A_495 = arith.muli %sub3A_493, %mul3A_494 : i32
        %add3A_496 = arith.addi %mul3A_2, %mul3A_495 : i32
        %dma_wait3A_497 = arith.constant 3 : i32
        %dma_wait3A_498 = arith.constant 0 : i32
        %dma_wait3A_499 = arith.constant 0 : i32
        %dma_wait3A_500 = arith.constant 0 : i32
        %dma_wait3A_501 = tpu.memref_slice %arg5[%dma_wait3A_497, %dma_wait3A_498, %dma_wait3A_499, %dma_wait3A_500] : memref<4x4x4x1024xf32, #tpu.memory_space<vmem>> -> memref<1x4x4x1024xf32, #tpu.memory_space<vmem>>
        %dma_wait3A_502 = tpu.memref_squeeze %dma_wait3A_501 : memref<1x4x4x1024xf32, #tpu.memory_space<vmem>> -> memref<4x4x1024xf32, #tpu.memory_space<vmem>>
        %dma_wait3A_503 = arith.constant 0 : i32
        %dma_wait3A_504 = arith.constant 0 : i32
        %dma_wait3A_505 = tpu.memref_slice %arg4[%add3A_496, %dma_wait3A_503, %dma_wait3A_504] : memref<2048x4x1024xf32, #tpu.memory_space<hbm>> -> memref<4x4x1024xf32, #tpu.memory_space<hbm>>
        %dma_wait3A_506 = arith.constant 0 : i32
        %dma_wait3A_507 = arith.constant 0 : i32
        %dma_wait3A_508 = tpu.memref_slice %arg4[%add3A_496, %dma_wait3A_506, %dma_wait3A_507] : memref<2048x4x1024xf32, #tpu.memory_space<hbm>> -> memref<4x4x1024xf32, #tpu.memory_space<hbm>>
        %dma_wait3A_509 = arith.constant 0 : i32
        %dma_wait3A_510 = arith.constant 0 : i32
        %dma_wait3A_511 = arith.constant 0 : i32
        %dma_wait3A_512 = tpu.memref_slice %arg5[%dma_wait3A_497, %dma_wait3A_509, %dma_wait3A_510, %dma_wait3A_511] : memref<4x4x4x1024xf32, #tpu.memory_space<vmem>> -> memref<1x4x4x1024xf32, #tpu.memory_space<vmem>>
        %dma_wait3A_513 = tpu.memref_squeeze %dma_wait3A_512 : memref<1x4x4x1024xf32, #tpu.memory_space<vmem>> -> memref<4x4x1024xf32, #tpu.memory_space<vmem>>
        tpu.wait_dma2 semaphore(%arg18 : memref<!tpu.dma_semaphore, #tpu.memory_space<semaphore_mem>>) src(%dma_wait3A_513 : memref<4x4x1024xf32, #tpu.memory_space<vmem>>) dst(%dma_wait3A_508 : memref<4x4x1024xf32, #tpu.memory_space<hbm>>)
        %add3A_514 = arith.constant 2 : i32
        %add3A_515 = arith.addi %add3A_279, %add3A_514 : i32
        %mul3A_516 = arith.constant 4 : i32
        %mul3A_517 = arith.muli %add3A_515, %mul3A_516 : i32
        %add3A_518 = arith.addi %mul3A_2, %mul3A_517 : i32
        %dma_start3A_519 = arith.constant 3 : i32
        %dma_start3A_520 = arith.constant 0 : i32
        %dma_start3A_521 = arith.constant 0 : i32
        %dma_start3A_522 = arith.constant 0 : i32
        %dma_start3A_523 = tpu.memref_slice %arg5[%dma_start3A_519, %dma_start3A_520, %dma_start3A_521, %dma_start3A_522] : memref<4x4x4x1024xf32, #tpu.memory_space<vmem>> -> memref<1x4x4x1024xf32, #tpu.memory_space<vmem>>
        %dma_start3A_524 = tpu.memref_squeeze %dma_start3A_523 : memref<1x4x4x1024xf32, #tpu.memory_space<vmem>> -> memref<4x4x1024xf32, #tpu.memory_space<vmem>>
        %dma_start3A_525 = arith.constant 0 : i32
        %dma_start3A_526 = arith.constant 0 : i32
        %dma_start3A_527 = tpu.memref_slice %arg2[%add3A_518, %dma_start3A_525, %dma_start3A_526] : memref<2048x4x1024xf32, #tpu.memory_space<hbm>> -> memref<4x4x1024xf32, #tpu.memory_space<hbm>>
        %dma_start3A_528 = arith.constant 0 : i32
        %dma_start3A_529 = arith.constant 0 : i32
        %dma_start3A_530 = arith.constant 0 : i32
        %dma_start3A_531 = tpu.memref_slice %arg5[%dma_start3A_519, %dma_start3A_528, %dma_start3A_529, %dma_start3A_530] : memref<4x4x4x1024xf32, #tpu.memory_space<vmem>> -> memref<1x4x4x1024xf32, #tpu.memory_space<vmem>>
        %dma_start3A_532 = tpu.memref_squeeze %dma_start3A_531 : memref<1x4x4x1024xf32, #tpu.memory_space<vmem>> -> memref<4x4x1024xf32, #tpu.memory_space<vmem>>
        %dma_start3A_533 = arith.constant 0 : i32
        %dma_start3A_534 = arith.constant 0 : i32
        %dma_start3A_535 = tpu.memref_slice %arg2[%add3A_518, %dma_start3A_533, %dma_start3A_534] : memref<2048x4x1024xf32, #tpu.memory_space<hbm>> -> memref<4x4x1024xf32, #tpu.memory_space<hbm>>
        tpu.enqueue_dma source(%dma_start3A_535 : memref<4x4x1024xf32, #tpu.memory_space<hbm>>) target(%dma_start3A_532 : memref<4x4x1024xf32, #tpu.memory_space<vmem>>) target_semaphore(%arg10 : memref<!tpu.dma_semaphore, #tpu.memory_space<semaphore_mem>>)
        %dma_start3A_536 = arith.constant 3 : i32
        %dma_start3A_537 = arith.constant 0 : i32
        %dma_start3A_538 = arith.constant 0 : i32
        %dma_start3A_539 = tpu.memref_slice %arg6[%dma_start3A_536, %dma_start3A_537, %dma_start3A_538] : memref<4x4x1024xf32, #tpu.memory_space<vmem>> -> memref<1x4x1024xf32, #tpu.memory_space<vmem>>
        %dma_start3A_540 = tpu.memref_squeeze %dma_start3A_539 : memref<1x4x1024xf32, #tpu.memory_space<vmem>> -> memref<4x1024xf32, #tpu.memory_space<vmem>>
        %dma_start3A_541 = arith.constant 0 : i32
        %dma_start3A_542 = tpu.memref_slice %arg3[%add3A_518, %dma_start3A_541] : memref<2048x1024xf32, #tpu.memory_space<hbm>> -> memref<4x1024xf32, #tpu.memory_space<hbm>>
        %dma_start3A_543 = arith.constant 0 : i32
        %dma_start3A_544 = arith.constant 0 : i32
        %dma_start3A_545 = tpu.memref_slice %arg6[%dma_start3A_536, %dma_start3A_543, %dma_start3A_544] : memref<4x4x1024xf32, #tpu.memory_space<vmem>> -> memref<1x4x1024xf32, #tpu.memory_space<vmem>>
        %dma_start3A_546 = tpu.memref_squeeze %dma_start3A_545 : memref<1x4x1024xf32, #tpu.memory_space<vmem>> -> memref<4x1024xf32, #tpu.memory_space<vmem>>
        %dma_start3A_547 = arith.constant 0 : i32
        %dma_start3A_548 = tpu.memref_slice %arg3[%add3A_518, %dma_start3A_547] : memref<2048x1024xf32, #tpu.memory_space<hbm>> -> memref<4x1024xf32, #tpu.memory_space<hbm>>
        tpu.enqueue_dma source(%dma_start3A_548 : memref<4x1024xf32, #tpu.memory_space<hbm>>) target(%dma_start3A_546 : memref<4x1024xf32, #tpu.memory_space<vmem>>) target_semaphore(%arg14 : memref<!tpu.dma_semaphore, #tpu.memory_space<semaphore_mem>>)
      } else {
      }
      %mul3A_348 = arith.constant 4 : i32
      %mul3A_349 = arith.muli %scan3A_210, %mul3A_348 : i32
      %add3A_350 = arith.constant 2 : i32
      %add3A_351 = arith.addi %mul3A_349, %add3A_350 : i32
      %mul3A_352 = arith.constant 4 : i32
      %mul3A_353 = arith.muli %add3A_351, %mul3A_352 : i32
      %add3A_354 = arith.addi %mul3A_2, %mul3A_353 : i32
      %dma_wait3A_355 = arith.constant 2 : i32
      %dma_wait3A_356 = arith.constant 0 : i32
      %dma_wait3A_357 = arith.constant 0 : i32
      %dma_wait3A_358 = arith.constant 0 : i32
      %dma_wait3A_359 = tpu.memref_slice %arg5[%dma_wait3A_355, %dma_wait3A_356, %dma_wait3A_357, %dma_wait3A_358] : memref<4x4x4x1024xf32, #tpu.memory_space<vmem>> -> memref<1x4x4x1024xf32, #tpu.memory_space<vmem>>
      %dma_wait3A_360 = tpu.memref_squeeze %dma_wait3A_359 : memref<1x4x4x1024xf32, #tpu.memory_space<vmem>> -> memref<4x4x1024xf32, #tpu.memory_space<vmem>>
      %dma_wait3A_361 = arith.constant 0 : i32
      %dma_wait3A_362 = arith.constant 0 : i32
      %dma_wait3A_363 = tpu.memref_slice %arg2[%add3A_354, %dma_wait3A_361, %dma_wait3A_362] : memref<2048x4x1024xf32, #tpu.memory_space<hbm>> -> memref<4x4x1024xf32, #tpu.memory_space<hbm>>
      %dma_wait3A_364 = arith.constant 0 : i32
      %dma_wait3A_365 = arith.constant 0 : i32
      %dma_wait3A_366 = arith.constant 0 : i32
      %dma_wait3A_367 = tpu.memref_slice %arg5[%dma_wait3A_355, %dma_wait3A_364, %dma_wait3A_365, %dma_wait3A_366] : memref<4x4x4x1024xf32, #tpu.memory_space<vmem>> -> memref<1x4x4x1024xf32, #tpu.memory_space<vmem>>
      %dma_wait3A_368 = tpu.memref_squeeze %dma_wait3A_367 : memref<1x4x4x1024xf32, #tpu.memory_space<vmem>> -> memref<4x4x1024xf32, #tpu.memory_space<vmem>>
      %dma_wait3A_369 = arith.constant 0 : i32
      %dma_wait3A_370 = arith.constant 0 : i32
      %dma_wait3A_371 = tpu.memref_slice %arg2[%add3A_354, %dma_wait3A_369, %dma_wait3A_370] : memref<2048x4x1024xf32, #tpu.memory_space<hbm>> -> memref<4x4x1024xf32, #tpu.memory_space<hbm>>
      tpu.wait_dma2 semaphore(%arg9 : memref<!tpu.dma_semaphore, #tpu.memory_space<semaphore_mem>>) src(%dma_wait3A_371 : memref<4x4x1024xf32, #tpu.memory_space<hbm>>) dst(%dma_wait3A_368 : memref<4x4x1024xf32, #tpu.memory_space<vmem>>)
      %dma_wait3A_372 = arith.constant 2 : i32
      %dma_wait3A_373 = arith.constant 0 : i32
      %dma_wait3A_374 = arith.constant 0 : i32
      %dma_wait3A_375 = tpu.memref_slice %arg6[%dma_wait3A_372, %dma_wait3A_373, %dma_wait3A_374] : memref<4x4x1024xf32, #tpu.memory_space<vmem>> -> memref<1x4x1024xf32, #tpu.memory_space<vmem>>
      %dma_wait3A_376 = tpu.memref_squeeze %dma_wait3A_375 : memref<1x4x1024xf32, #tpu.memory_space<vmem>> -> memref<4x1024xf32, #tpu.memory_space<vmem>>
      %dma_wait3A_377 = arith.constant 0 : i32
      %dma_wait3A_378 = tpu.memref_slice %arg3[%add3A_354, %dma_wait3A_377] : memref<2048x1024xf32, #tpu.memory_space<hbm>> -> memref<4x1024xf32, #tpu.memory_space<hbm>>
      %dma_wait3A_379 = arith.constant 0 : i32
      %dma_wait3A_380 = arith.constant 0 : i32
      %dma_wait3A_381 = tpu.memref_slice %arg6[%dma_wait3A_372, %dma_wait3A_379, %dma_wait3A_380] : memref<4x4x1024xf32, #tpu.memory_space<vmem>> -> memref<1x4x1024xf32, #tpu.memory_space<vmem>>
      %dma_wait3A_382 = tpu.memref_squeeze %dma_wait3A_381 : memref<1x4x1024xf32, #tpu.memory_space<vmem>> -> memref<4x1024xf32, #tpu.memory_space<vmem>>
      %dma_wait3A_383 = arith.constant 0 : i32
      %dma_wait3A_384 = tpu.memref_slice %arg3[%add3A_354, %dma_wait3A_383] : memref<2048x1024xf32, #tpu.memory_space<hbm>> -> memref<4x1024xf32, #tpu.memory_space<hbm>>
      tpu.wait_dma2 semaphore(%arg13 : memref<!tpu.dma_semaphore, #tpu.memory_space<semaphore_mem>>) src(%dma_wait3A_384 : memref<4x1024xf32, #tpu.memory_space<hbm>>) dst(%dma_wait3A_382 : memref<4x1024xf32, #tpu.memory_space<vmem>>)
      %parallel_loop3A_385 = arith.constant 0 : i32
      %parallel_loop3A_386 = arith.constant 256 : i32
      %parallel_loop3A_387 = arith.constant 1 : i32
      scf.for %parallel_loop3A_492 = %parallel_loop3A_385 to %parallel_loop3A_386 step %parallel_loop3A_387  : i32 {
        %parallel_loop3A_493 = arith.constant 64 : i32
        %parallel_loop3A_494 = arith.divsi %parallel_loop3A_492, %parallel_loop3A_493 : i32
        %parallel_loop3A_495 = arith.constant 0 : i32
        %parallel_loop3A_496 = arith.cmpi sgt, %parallel_loop3A_492, %parallel_loop3A_495 : i32
        %parallel_loop3A_497 = arith.extui %parallel_loop3A_496 : i1 to i32
        %parallel_loop3A_498 = arith.constant 0 : i32
        %parallel_loop3A_499 = arith.cmpi slt, %parallel_loop3A_492, %parallel_loop3A_498 : i32
        %parallel_loop3A_500 = arith.extui %parallel_loop3A_499 : i1 to i32
        %parallel_loop3A_501 = arith.subi %parallel_loop3A_497, %parallel_loop3A_500 : i32
        %parallel_loop3A_502 = arith.constant 0 : i32
        %parallel_loop3A_503 = arith.cmpi sgt, %parallel_loop3A_493, %parallel_loop3A_502 : i32
        %parallel_loop3A_504 = arith.extui %parallel_loop3A_503 : i1 to i32
        %parallel_loop3A_505 = arith.constant 0 : i32
        %parallel_loop3A_506 = arith.cmpi slt, %parallel_loop3A_493, %parallel_loop3A_505 : i32
        %parallel_loop3A_507 = arith.extui %parallel_loop3A_506 : i1 to i32
        %parallel_loop3A_508 = arith.subi %parallel_loop3A_504, %parallel_loop3A_507 : i32
        %parallel_loop3A_509 = arith.cmpi ne, %parallel_loop3A_501, %parallel_loop3A_508 : i32
        %parallel_loop3A_510 = arith.remsi %parallel_loop3A_492, %parallel_loop3A_493 : i32
        %parallel_loop3A_511 = arith.constant 0 : i32
        %parallel_loop3A_512 = arith.cmpi ne, %parallel_loop3A_510, %parallel_loop3A_511 : i32
        %parallel_loop3A_513 = arith.andi %parallel_loop3A_509, %parallel_loop3A_512 : i1
        %parallel_loop3A_514 = arith.constant 1 : i32
        %parallel_loop3A_515 = arith.subi %parallel_loop3A_494, %parallel_loop3A_514 : i32
        %parallel_loop3A_516 = arith.select %parallel_loop3A_513, %parallel_loop3A_515, %parallel_loop3A_494 : i32
        %parallel_loop3A_517 = arith.constant 64 : i32
        %parallel_loop3A_518 = arith.constant 0 : i32
        %parallel_loop3A_519 = arith.cmpi eq, %parallel_loop3A_517, %parallel_loop3A_518 : i32
        %parallel_loop3A_520 = arith.constant 1 : i32
        %parallel_loop3A_521 = arith.select %parallel_loop3A_519, %parallel_loop3A_520, %parallel_loop3A_517 : i32
        %parallel_loop3A_522 = arith.remsi %parallel_loop3A_492, %parallel_loop3A_521 : i32
        %parallel_loop3A_523 = arith.constant 0 : i32
        %parallel_loop3A_524 = arith.cmpi ne, %parallel_loop3A_522, %parallel_loop3A_523 : i32
        %parallel_loop3A_525 = arith.constant 0 : i32
        %parallel_loop3A_526 = arith.cmpi slt, %parallel_loop3A_522, %parallel_loop3A_525 : i32
        %parallel_loop3A_527 = arith.constant 0 : i32
        %parallel_loop3A_528 = arith.cmpi slt, %parallel_loop3A_521, %parallel_loop3A_527 : i32
        %parallel_loop3A_529 = arith.xori %parallel_loop3A_526, %parallel_loop3A_528 : i1
        %parallel_loop3A_530 = arith.andi %parallel_loop3A_529, %parallel_loop3A_524 : i1
        %parallel_loop3A_531 = arith.addi %parallel_loop3A_522, %parallel_loop3A_521 : i32
        %parallel_loop3A_532 = arith.select %parallel_loop3A_530, %parallel_loop3A_531, %parallel_loop3A_522 : i32
        %parallel_loop3A_533 = arith.constant 16 : i32
        %parallel_loop3A_534 = arith.muli %parallel_loop3A_532, %parallel_loop3A_533 : i32
        %parallel_loop3A_535 = arith.constant 2 : i32
        %parallel_loop3A_536 = arith.index_cast %parallel_loop3A_535 : i32 to index
        %parallel_loop3A_537 = arith.index_cast %parallel_loop3A_516 : i32 to index
        %parallel_loop3A_538 = arith.index_cast %parallel_loop3A_534 : i32 to index
        %parallel_loop3A_539 = tpu.vector_load %arg6[%parallel_loop3A_536, %parallel_loop3A_537, %parallel_loop3A_538] {strides = array<i32>} : memref<4x4x1024xf32, #tpu.memory_space<vmem>>, vector<1x1x16xf32>,
        %parallel_loop3A_540 = vector.shape_cast %parallel_loop3A_539 : vector<1x1x16xf32> to vector<16xf32>
        %parallel_loop3A_541 = arith.constant 2 : i32
        %parallel_loop3A_542 = arith.constant 0 : i32
        %parallel_loop3A_543 = arith.index_cast %parallel_loop3A_541 : i32 to index
        %parallel_loop3A_544 = arith.index_cast %parallel_loop3A_516 : i32 to index
        %parallel_loop3A_545 = arith.index_cast %parallel_loop3A_542 : i32 to index
        %parallel_loop3A_546 = arith.index_cast %parallel_loop3A_534 : i32 to index
        %parallel_loop3A_547 = tpu.vector_load %arg5[%parallel_loop3A_543, %parallel_loop3A_544, %parallel_loop3A_545, %parallel_loop3A_546] {strides = array<i32>} : memref<4x4x4x1024xf32, #tpu.memory_space<vmem>>, vector<1x1x1x16xf32>,
        %parallel_loop3A_548 = vector.shape_cast %parallel_loop3A_547 : vector<1x1x1x16xf32> to vector<16xf32>
        %parallel_loop3A_549 = arith.addf %parallel_loop3A_548, %parallel_loop3A_540 : vector<16xf32>
        %parallel_loop3A_550 = arith.constant 2 : i32
        %parallel_loop3A_551 = arith.constant 0 : i32
        %parallel_loop3A_552 = arith.index_cast %parallel_loop3A_550 : i32 to index
        %parallel_loop3A_553 = arith.index_cast %parallel_loop3A_516 : i32 to index
        %parallel_loop3A_554 = arith.index_cast %parallel_loop3A_551 : i32 to index
        %parallel_loop3A_555 = arith.index_cast %parallel_loop3A_534 : i32 to index
        %parallel_loop3A_556 = tpu.vector_load %arg5[%parallel_loop3A_552, %parallel_loop3A_553, %parallel_loop3A_554, %parallel_loop3A_555] {strides = array<i32>} : memref<4x4x4x1024xf32, #tpu.memory_space<vmem>>, vector<1x1x1x16xf32>,
        %parallel_loop3A_557 = vector.shape_cast %parallel_loop3A_556 : vector<1x1x1x16xf32> to vector<16xf32>
        %parallel_loop3A_558 = vector.shape_cast %parallel_loop3A_549 : vector<16xf32> to vector<1x1x1x16xf32>
        tpu.vector_store %arg5[%parallel_loop3A_552, %parallel_loop3A_553, %parallel_loop3A_554, %parallel_loop3A_555], %parallel_loop3A_558 {strides = array<i32>} : memref<4x4x4x1024xf32, #tpu.memory_space<vmem>>, vector<1x1x1x16xf32>,
        %parallel_loop3A_559 = arith.constant 2 : i32
        %parallel_loop3A_560 = arith.constant 1 : i32
        %parallel_loop3A_561 = arith.index_cast %parallel_loop3A_559 : i32 to index
        %parallel_loop3A_562 = arith.index_cast %parallel_loop3A_516 : i32 to index
        %parallel_loop3A_563 = arith.index_cast %parallel_loop3A_560 : i32 to index
        %parallel_loop3A_564 = arith.index_cast %parallel_loop3A_534 : i32 to index
        %parallel_loop3A_565 = tpu.vector_load %arg5[%parallel_loop3A_561, %parallel_loop3A_562, %parallel_loop3A_563, %parallel_loop3A_564] {strides = array<i32>} : memref<4x4x4x1024xf32, #tpu.memory_space<vmem>>, vector<1x1x1x16xf32>,
        %parallel_loop3A_566 = vector.shape_cast %parallel_loop3A_565 : vector<1x1x1x16xf32> to vector<16xf32>
        %parallel_loop3A_567 = arith.addf %parallel_loop3A_566, %parallel_loop3A_540 : vector<16xf32>
        %parallel_loop3A_568 = arith.constant 2 : i32
        %parallel_loop3A_569 = arith.constant 1 : i32
        %parallel_loop3A_570 = arith.index_cast %parallel_loop3A_568 : i32 to index
        %parallel_loop3A_571 = arith.index_cast %parallel_loop3A_516 : i32 to index
        %parallel_loop3A_572 = arith.index_cast %parallel_loop3A_569 : i32 to index
        %parallel_loop3A_573 = arith.index_cast %parallel_loop3A_534 : i32 to index
        %parallel_loop3A_574 = tpu.vector_load %arg5[%parallel_loop3A_570, %parallel_loop3A_571, %parallel_loop3A_572, %parallel_loop3A_573] {strides = array<i32>} : memref<4x4x4x1024xf32, #tpu.memory_space<vmem>>, vector<1x1x1x16xf32>,
        %parallel_loop3A_575 = vector.shape_cast %parallel_loop3A_574 : vector<1x1x1x16xf32> to vector<16xf32>
        %parallel_loop3A_576 = vector.shape_cast %parallel_loop3A_567 : vector<16xf32> to vector<1x1x1x16xf32>
        tpu.vector_store %arg5[%parallel_loop3A_570, %parallel_loop3A_571, %parallel_loop3A_572, %parallel_loop3A_573], %parallel_loop3A_576 {strides = array<i32>} : memref<4x4x4x1024xf32, #tpu.memory_space<vmem>>, vector<1x1x1x16xf32>,
        %parallel_loop3A_577 = arith.constant 2 : i32
        %parallel_loop3A_578 = arith.constant 2 : i32
        %parallel_loop3A_579 = arith.index_cast %parallel_loop3A_577 : i32 to index
        %parallel_loop3A_580 = arith.index_cast %parallel_loop3A_516 : i32 to index
        %parallel_loop3A_581 = arith.index_cast %parallel_loop3A_578 : i32 to index
        %parallel_loop3A_582 = arith.index_cast %parallel_loop3A_534 : i32 to index
        %parallel_loop3A_583 = tpu.vector_load %arg5[%parallel_loop3A_579, %parallel_loop3A_580, %parallel_loop3A_581, %parallel_loop3A_582] {strides = array<i32>} : memref<4x4x4x1024xf32, #tpu.memory_space<vmem>>, vector<1x1x1x16xf32>,
        %parallel_loop3A_584 = vector.shape_cast %parallel_loop3A_583 : vector<1x1x1x16xf32> to vector<16xf32>
        %parallel_loop3A_585 = arith.addf %parallel_loop3A_584, %parallel_loop3A_540 : vector<16xf32>
        %parallel_loop3A_586 = arith.constant 2 : i32
        %parallel_loop3A_587 = arith.constant 2 : i32
        %parallel_loop3A_588 = arith.index_cast %parallel_loop3A_586 : i32 to index
        %parallel_loop3A_589 = arith.index_cast %parallel_loop3A_516 : i32 to index
        %parallel_loop3A_590 = arith.index_cast %parallel_loop3A_587 : i32 to index
        %parallel_loop3A_591 = arith.index_cast %parallel_loop3A_534 : i32 to index
        %parallel_loop3A_592 = tpu.vector_load %arg5[%parallel_loop3A_588, %parallel_loop3A_589, %parallel_loop3A_590, %parallel_loop3A_591] {strides = array<i32>} : memref<4x4x4x1024xf32, #tpu.memory_space<vmem>>, vector<1x1x1x16xf32>,
        %parallel_loop3A_593 = vector.shape_cast %parallel_loop3A_592 : vector<1x1x1x16xf32> to vector<16xf32>
        %parallel_loop3A_594 = vector.shape_cast %parallel_loop3A_585 : vector<16xf32> to vector<1x1x1x16xf32>
        tpu.vector_store %arg5[%parallel_loop3A_588, %parallel_loop3A_589, %parallel_loop3A_590, %parallel_loop3A_591], %parallel_loop3A_594 {strides = array<i32>} : memref<4x4x4x1024xf32, #tpu.memory_space<vmem>>, vector<1x1x1x16xf32>,
        %parallel_loop3A_595 = arith.constant 2 : i32
        %parallel_loop3A_596 = arith.constant 3 : i32
        %parallel_loop3A_597 = arith.index_cast %parallel_loop3A_595 : i32 to index
        %parallel_loop3A_598 = arith.index_cast %parallel_loop3A_516 : i32 to index
        %parallel_loop3A_599 = arith.index_cast %parallel_loop3A_596 : i32 to index
        %parallel_loop3A_600 = arith.index_cast %parallel_loop3A_534 : i32 to index
        %parallel_loop3A_601 = tpu.vector_load %arg5[%parallel_loop3A_597, %parallel_loop3A_598, %parallel_loop3A_599, %parallel_loop3A_600] {strides = array<i32>} : memref<4x4x4x1024xf32, #tpu.memory_space<vmem>>, vector<1x1x1x16xf32>,
        %parallel_loop3A_602 = vector.shape_cast %parallel_loop3A_601 : vector<1x1x1x16xf32> to vector<16xf32>
        %parallel_loop3A_603 = arith.addf %parallel_loop3A_602, %parallel_loop3A_540 : vector<16xf32>
        %parallel_loop3A_604 = arith.constant 2 : i32
        %parallel_loop3A_605 = arith.constant 3 : i32
        %parallel_loop3A_606 = arith.index_cast %parallel_loop3A_604 : i32 to index
        %parallel_loop3A_607 = arith.index_cast %parallel_loop3A_516 : i32 to index
        %parallel_loop3A_608 = arith.index_cast %parallel_loop3A_605 : i32 to index
        %parallel_loop3A_609 = arith.index_cast %parallel_loop3A_534 : i32 to index
        %parallel_loop3A_610 = tpu.vector_load %arg5[%parallel_loop3A_606, %parallel_loop3A_607, %parallel_loop3A_608, %parallel_loop3A_609] {strides = array<i32>} : memref<4x4x4x1024xf32, #tpu.memory_space<vmem>>, vector<1x1x1x16xf32>,
        %parallel_loop3A_611 = vector.shape_cast %parallel_loop3A_610 : vector<1x1x1x16xf32> to vector<16xf32>
        %parallel_loop3A_612 = vector.shape_cast %parallel_loop3A_603 : vector<16xf32> to vector<1x1x1x16xf32>
        tpu.vector_store %arg5[%parallel_loop3A_606, %parallel_loop3A_607, %parallel_loop3A_608, %parallel_loop3A_609], %parallel_loop3A_612 {strides = array<i32>} : memref<4x4x4x1024xf32, #tpu.memory_space<vmem>>, vector<1x1x1x16xf32>,
      } {sc.loop_unroll_factor = 4 : i64, sc.parallel_access}
      %mul3A_388 = arith.constant 4 : i32
      %mul3A_389 = arith.muli %add3A_351, %mul3A_388 : i32
      %add3A_390 = arith.addi %mul3A_2, %mul3A_389 : i32
      %dma_start3A_391 = arith.constant 2 : i32
      %dma_start3A_392 = arith.constant 0 : i32
      %dma_start3A_393 = arith.constant 0 : i32
      %dma_start3A_394 = arith.constant 0 : i32
      %dma_start3A_395 = tpu.memref_slice %arg5[%dma_start3A_391, %dma_start3A_392, %dma_start3A_393, %dma_start3A_394] : memref<4x4x4x1024xf32, #tpu.memory_space<vmem>> -> memref<1x4x4x1024xf32, #tpu.memory_space<vmem>>
      %dma_start3A_396 = tpu.memref_squeeze %dma_start3A_395 : memref<1x4x4x1024xf32, #tpu.memory_space<vmem>> -> memref<4x4x1024xf32, #tpu.memory_space<vmem>>
      %dma_start3A_397 = arith.constant 0 : i32
      %dma_start3A_398 = arith.constant 0 : i32
      %dma_start3A_399 = tpu.memref_slice %arg4[%add3A_390, %dma_start3A_397, %dma_start3A_398] : memref<2048x4x1024xf32, #tpu.memory_space<hbm>> -> memref<4x4x1024xf32, #tpu.memory_space<hbm>>
      %dma_start3A_400 = arith.constant 0 : i32
      %dma_start3A_401 = arith.constant 0 : i32
      %dma_start3A_402 = tpu.memref_slice %arg4[%add3A_390, %dma_start3A_400, %dma_start3A_401] : memref<2048x4x1024xf32, #tpu.memory_space<hbm>> -> memref<4x4x1024xf32, #tpu.memory_space<hbm>>
      %dma_start3A_403 = arith.constant 0 : i32
      %dma_start3A_404 = arith.constant 0 : i32
      %dma_start3A_405 = arith.constant 0 : i32
      %dma_start3A_406 = tpu.memref_slice %arg5[%dma_start3A_391, %dma_start3A_403, %dma_start3A_404, %dma_start3A_405] : memref<4x4x4x1024xf32, #tpu.memory_space<vmem>> -> memref<1x4x4x1024xf32, #tpu.memory_space<vmem>>
      %dma_start3A_407 = tpu.memref_squeeze %dma_start3A_406 : memref<1x4x4x1024xf32, #tpu.memory_space<vmem>> -> memref<4x4x1024xf32, #tpu.memory_space<vmem>>
      tpu.enqueue_dma source(%dma_start3A_407 : memref<4x4x1024xf32, #tpu.memory_space<vmem>>) target(%dma_start3A_402 : memref<4x4x1024xf32, #tpu.memory_space<hbm>>) target_semaphore(%arg17 : memref<!tpu.dma_semaphore, #tpu.memory_space<semaphore_mem>>)
      %sub3A_408 = arith.constant 2 : i32
      %sub3A_409 = arith.subi %add3A_351, %sub3A_408 : i32
      %ge3A_410 = arith.constant 0 : i32
      %ge3A_411 = arith.cmpi sge, %sub3A_409, %ge3A_410 : i32
      %add3A_412 = arith.constant 2 : i32
      %add3A_413 = arith.addi %add3A_351, %add3A_412 : i32
      %lt3A_414 = arith.constant 16 : i32
      %lt3A_415 = arith.cmpi slt, %add3A_413, %lt3A_414 : i32
      %and3A_416 = arith.andi %ge3A_411, %lt3A_415 : i1
      %convert_element_type3A_417 = arith.extui %and3A_416 : i1 to i32
      %cond3A_418 = arith.constant 0 : i32
      %cond3A_419 = arith.cmpi ne, %convert_element_type3A_417, %cond3A_418 : i32
      scf.if %cond3A_419 {
        %sub3A_492 = arith.constant 2 : i32
        %sub3A_493 = arith.subi %add3A_351, %sub3A_492 : i32
        %mul3A_494 = arith.constant 4 : i32
        %mul3A_495 = arith.muli %sub3A_493, %mul3A_494 : i32
        %add3A_496 = arith.addi %mul3A_2, %mul3A_495 : i32
        %dma_wait3A_497 = arith.constant 0 : i32
        %dma_wait3A_498 = arith.constant 0 : i32
        %dma_wait3A_499 = arith.constant 0 : i32
        %dma_wait3A_500 = arith.constant 0 : i32
        %dma_wait3A_501 = tpu.memref_slice %arg5[%dma_wait3A_497, %dma_wait3A_498, %dma_wait3A_499, %dma_wait3A_500] : memref<4x4x4x1024xf32, #tpu.memory_space<vmem>> -> memref<1x4x4x1024xf32, #tpu.memory_space<vmem>>
        %dma_wait3A_502 = tpu.memref_squeeze %dma_wait3A_501 : memref<1x4x4x1024xf32, #tpu.memory_space<vmem>> -> memref<4x4x1024xf32, #tpu.memory_space<vmem>>
        %dma_wait3A_503 = arith.constant 0 : i32
        %dma_wait3A_504 = arith.constant 0 : i32
        %dma_wait3A_505 = tpu.memref_slice %arg4[%add3A_496, %dma_wait3A_503, %dma_wait3A_504] : memref<2048x4x1024xf32, #tpu.memory_space<hbm>> -> memref<4x4x1024xf32, #tpu.memory_space<hbm>>
        %dma_wait3A_506 = arith.constant 0 : i32
        %dma_wait3A_507 = arith.constant 0 : i32
        %dma_wait3A_508 = tpu.memref_slice %arg4[%add3A_496, %dma_wait3A_506, %dma_wait3A_507] : memref<2048x4x1024xf32, #tpu.memory_space<hbm>> -> memref<4x4x1024xf32, #tpu.memory_space<hbm>>
        %dma_wait3A_509 = arith.constant 0 : i32
        %dma_wait3A_510 = arith.constant 0 : i32
        %dma_wait3A_511 = arith.constant 0 : i32
        %dma_wait3A_512 = tpu.memref_slice %arg5[%dma_wait3A_497, %dma_wait3A_509, %dma_wait3A_510, %dma_wait3A_511] : memref<4x4x4x1024xf32, #tpu.memory_space<vmem>> -> memref<1x4x4x1024xf32, #tpu.memory_space<vmem>>
        %dma_wait3A_513 = tpu.memref_squeeze %dma_wait3A_512 : memref<1x4x4x1024xf32, #tpu.memory_space<vmem>> -> memref<4x4x1024xf32, #tpu.memory_space<vmem>>
        tpu.wait_dma2 semaphore(%arg15 : memref<!tpu.dma_semaphore, #tpu.memory_space<semaphore_mem>>) src(%dma_wait3A_513 : memref<4x4x1024xf32, #tpu.memory_space<vmem>>) dst(%dma_wait3A_508 : memref<4x4x1024xf32, #tpu.memory_space<hbm>>)
        %add3A_514 = arith.constant 2 : i32
        %add3A_515 = arith.addi %add3A_351, %add3A_514 : i32
        %mul3A_516 = arith.constant 4 : i32
        %mul3A_517 = arith.muli %add3A_515, %mul3A_516 : i32
        %add3A_518 = arith.addi %mul3A_2, %mul3A_517 : i32
        %dma_start3A_519 = arith.constant 0 : i32
        %dma_start3A_520 = arith.constant 0 : i32
        %dma_start3A_521 = arith.constant 0 : i32
        %dma_start3A_522 = arith.constant 0 : i32
        %dma_start3A_523 = tpu.memref_slice %arg5[%dma_start3A_519, %dma_start3A_520, %dma_start3A_521, %dma_start3A_522] : memref<4x4x4x1024xf32, #tpu.memory_space<vmem>> -> memref<1x4x4x1024xf32, #tpu.memory_space<vmem>>
        %dma_start3A_524 = tpu.memref_squeeze %dma_start3A_523 : memref<1x4x4x1024xf32, #tpu.memory_space<vmem>> -> memref<4x4x1024xf32, #tpu.memory_space<vmem>>
        %dma_start3A_525 = arith.constant 0 : i32
        %dma_start3A_526 = arith.constant 0 : i32
        %dma_start3A_527 = tpu.memref_slice %arg2[%add3A_518, %dma_start3A_525, %dma_start3A_526] : memref<2048x4x1024xf32, #tpu.memory_space<hbm>> -> memref<4x4x1024xf32, #tpu.memory_space<hbm>>
        %dma_start3A_528 = arith.constant 0 : i32
        %dma_start3A_529 = arith.constant 0 : i32
        %dma_start3A_530 = arith.constant 0 : i32
        %dma_start3A_531 = tpu.memref_slice %arg5[%dma_start3A_519, %dma_start3A_528, %dma_start3A_529, %dma_start3A_530] : memref<4x4x4x1024xf32, #tpu.memory_space<vmem>> -> memref<1x4x4x1024xf32, #tpu.memory_space<vmem>>
        %dma_start3A_532 = tpu.memref_squeeze %dma_start3A_531 : memref<1x4x4x1024xf32, #tpu.memory_space<vmem>> -> memref<4x4x1024xf32, #tpu.memory_space<vmem>>
        %dma_start3A_533 = arith.constant 0 : i32
        %dma_start3A_534 = arith.constant 0 : i32
        %dma_start3A_535 = tpu.memref_slice %arg2[%add3A_518, %dma_start3A_533, %dma_start3A_534] : memref<2048x4x1024xf32, #tpu.memory_space<hbm>> -> memref<4x4x1024xf32, #tpu.memory_space<hbm>>
        tpu.enqueue_dma source(%dma_start3A_535 : memref<4x4x1024xf32, #tpu.memory_space<hbm>>) target(%dma_start3A_532 : memref<4x4x1024xf32, #tpu.memory_space<vmem>>) target_semaphore(%arg7 : memref<!tpu.dma_semaphore, #tpu.memory_space<semaphore_mem>>)
        %dma_start3A_536 = arith.constant 0 : i32
        %dma_start3A_537 = arith.constant 0 : i32
        %dma_start3A_538 = arith.constant 0 : i32
        %dma_start3A_539 = tpu.memref_slice %arg6[%dma_start3A_536, %dma_start3A_537, %dma_start3A_538] : memref<4x4x1024xf32, #tpu.memory_space<vmem>> -> memref<1x4x1024xf32, #tpu.memory_space<vmem>>
        %dma_start3A_540 = tpu.memref_squeeze %dma_start3A_539 : memref<1x4x1024xf32, #tpu.memory_space<vmem>> -> memref<4x1024xf32, #tpu.memory_space<vmem>>
        %dma_start3A_541 = arith.constant 0 : i32
        %dma_start3A_542 = tpu.memref_slice %arg3[%add3A_518, %dma_start3A_541] : memref<2048x1024xf32, #tpu.memory_space<hbm>> -> memref<4x1024xf32, #tpu.memory_space<hbm>>
        %dma_start3A_543 = arith.constant 0 : i32
        %dma_start3A_544 = arith.constant 0 : i32
        %dma_start3A_545 = tpu.memref_slice %arg6[%dma_start3A_536, %dma_start3A_543, %dma_start3A_544] : memref<4x4x1024xf32, #tpu.memory_space<vmem>> -> memref<1x4x1024xf32, #tpu.memory_space<vmem>>
        %dma_start3A_546 = tpu.memref_squeeze %dma_start3A_545 : memref<1x4x1024xf32, #tpu.memory_space<vmem>> -> memref<4x1024xf32, #tpu.memory_space<vmem>>
        %dma_start3A_547 = arith.constant 0 : i32
        %dma_start3A_548 = tpu.memref_slice %arg3[%add3A_518, %dma_start3A_547] : memref<2048x1024xf32, #tpu.memory_space<hbm>> -> memref<4x1024xf32, #tpu.memory_space<hbm>>
        tpu.enqueue_dma source(%dma_start3A_548 : memref<4x1024xf32, #tpu.memory_space<hbm>>) target(%dma_start3A_546 : memref<4x1024xf32, #tpu.memory_space<vmem>>) target_semaphore(%arg11 : memref<!tpu.dma_semaphore, #tpu.memory_space<semaphore_mem>>)
      } else {
      }
      %mul3A_420 = arith.constant 4 : i32
      %mul3A_421 = arith.muli %scan3A_210, %mul3A_420 : i32
      %add3A_422 = arith.constant 3 : i32
      %add3A_423 = arith.addi %mul3A_421, %add3A_422 : i32
      %mul3A_424 = arith.constant 4 : i32
      %mul3A_425 = arith.muli %add3A_423, %mul3A_424 : i32
      %add3A_426 = arith.addi %mul3A_2, %mul3A_425 : i32
      %dma_wait3A_427 = arith.constant 3 : i32
      %dma_wait3A_428 = arith.constant 0 : i32
      %dma_wait3A_429 = arith.constant 0 : i32
      %dma_wait3A_430 = arith.constant 0 : i32
      %dma_wait3A_431 = tpu.memref_slice %arg5[%dma_wait3A_427, %dma_wait3A_428, %dma_wait3A_429, %dma_wait3A_430] : memref<4x4x4x1024xf32, #tpu.memory_space<vmem>> -> memref<1x4x4x1024xf32, #tpu.memory_space<vmem>>
      %dma_wait3A_432 = tpu.memref_squeeze %dma_wait3A_431 : memref<1x4x4x1024xf32, #tpu.memory_space<vmem>> -> memref<4x4x1024xf32, #tpu.memory_space<vmem>>
      %dma_wait3A_433 = arith.constant 0 : i32
      %dma_wait3A_434 = arith.constant 0 : i32
      %dma_wait3A_435 = tpu.memref_slice %arg2[%add3A_426, %dma_wait3A_433, %dma_wait3A_434] : memref<2048x4x1024xf32, #tpu.memory_space<hbm>> -> memref<4x4x1024xf32, #tpu.memory_space<hbm>>
      %dma_wait3A_436 = arith.constant 0 : i32
      %dma_wait3A_437 = arith.constant 0 : i32
      %dma_wait3A_438 = arith.constant 0 : i32
      %dma_wait3A_439 = tpu.memref_slice %arg5[%dma_wait3A_427, %dma_wait3A_436, %dma_wait3A_437, %dma_wait3A_438] : memref<4x4x4x1024xf32, #tpu.memory_space<vmem>> -> memref<1x4x4x1024xf32, #tpu.memory_space<vmem>>
      %dma_wait3A_440 = tpu.memref_squeeze %dma_wait3A_439 : memref<1x4x4x1024xf32, #tpu.memory_space<vmem>> -> memref<4x4x1024xf32, #tpu.memory_space<vmem>>
      %dma_wait3A_441 = arith.constant 0 : i32
      %dma_wait3A_442 = arith.constant 0 : i32
      %dma_wait3A_443 = tpu.memref_slice %arg2[%add3A_426, %dma_wait3A_441, %dma_wait3A_442] : memref<2048x4x1024xf32, #tpu.memory_space<hbm>> -> memref<4x4x1024xf32, #tpu.memory_space<hbm>>
      tpu.wait_dma2 semaphore(%arg10 : memref<!tpu.dma_semaphore, #tpu.memory_space<semaphore_mem>>) src(%dma_wait3A_443 : memref<4x4x1024xf32, #tpu.memory_space<hbm>>) dst(%dma_wait3A_440 : memref<4x4x1024xf32, #tpu.memory_space<vmem>>)
      %dma_wait3A_444 = arith.constant 3 : i32
      %dma_wait3A_445 = arith.constant 0 : i32
      %dma_wait3A_446 = arith.constant 0 : i32
      %dma_wait3A_447 = tpu.memref_slice %arg6[%dma_wait3A_444, %dma_wait3A_445, %dma_wait3A_446] : memref<4x4x1024xf32, #tpu.memory_space<vmem>> -> memref<1x4x1024xf32, #tpu.memory_space<vmem>>
      %dma_wait3A_448 = tpu.memref_squeeze %dma_wait3A_447 : memref<1x4x1024xf32, #tpu.memory_space<vmem>> -> memref<4x1024xf32, #tpu.memory_space<vmem>>
      %dma_wait3A_449 = arith.constant 0 : i32
      %dma_wait3A_450 = tpu.memref_slice %arg3[%add3A_426, %dma_wait3A_449] : memref<2048x1024xf32, #tpu.memory_space<hbm>> -> memref<4x1024xf32, #tpu.memory_space<hbm>>
      %dma_wait3A_451 = arith.constant 0 : i32
      %dma_wait3A_452 = arith.constant 0 : i32
      %dma_wait3A_453 = tpu.memref_slice %arg6[%dma_wait3A_444, %dma_wait3A_451, %dma_wait3A_452] : memref<4x4x1024xf32, #tpu.memory_space<vmem>> -> memref<1x4x1024xf32, #tpu.memory_space<vmem>>
      %dma_wait3A_454 = tpu.memref_squeeze %dma_wait3A_453 : memref<1x4x1024xf32, #tpu.memory_space<vmem>> -> memref<4x1024xf32, #tpu.memory_space<vmem>>
      %dma_wait3A_455 = arith.constant 0 : i32
      %dma_wait3A_456 = tpu.memref_slice %arg3[%add3A_426, %dma_wait3A_455] : memref<2048x1024xf32, #tpu.memory_space<hbm>> -> memref<4x1024xf32, #tpu.memory_space<hbm>>
      tpu.wait_dma2 semaphore(%arg14 : memref<!tpu.dma_semaphore, #tpu.memory_space<semaphore_mem>>) src(%dma_wait3A_456 : memref<4x1024xf32, #tpu.memory_space<hbm>>) dst(%dma_wait3A_454 : memref<4x1024xf32, #tpu.memory_space<vmem>>)
      %parallel_loop3A_457 = arith.constant 0 : i32
      %parallel_loop3A_458 = arith.constant 256 : i32
      %parallel_loop3A_459 = arith.constant 1 : i32
      scf.for %parallel_loop3A_492 = %parallel_loop3A_457 to %parallel_loop3A_458 step %parallel_loop3A_459  : i32 {
        %parallel_loop3A_493 = arith.constant 64 : i32
        %parallel_loop3A_494 = arith.divsi %parallel_loop3A_492, %parallel_loop3A_493 : i32
        %parallel_loop3A_495 = arith.constant 0 : i32
        %parallel_loop3A_496 = arith.cmpi sgt, %parallel_loop3A_492, %parallel_loop3A_495 : i32
        %parallel_loop3A_497 = arith.extui %parallel_loop3A_496 : i1 to i32
        %parallel_loop3A_498 = arith.constant 0 : i32
        %parallel_loop3A_499 = arith.cmpi slt, %parallel_loop3A_492, %parallel_loop3A_498 : i32
        %parallel_loop3A_500 = arith.extui %parallel_loop3A_499 : i1 to i32
        %parallel_loop3A_501 = arith.subi %parallel_loop3A_497, %parallel_loop3A_500 : i32
        %parallel_loop3A_502 = arith.constant 0 : i32
        %parallel_loop3A_503 = arith.cmpi sgt, %parallel_loop3A_493, %parallel_loop3A_502 : i32
        %parallel_loop3A_504 = arith.extui %parallel_loop3A_503 : i1 to i32
        %parallel_loop3A_505 = arith.constant 0 : i32
        %parallel_loop3A_506 = arith.cmpi slt, %parallel_loop3A_493, %parallel_loop3A_505 : i32
        %parallel_loop3A_507 = arith.extui %parallel_loop3A_506 : i1 to i32
        %parallel_loop3A_508 = arith.subi %parallel_loop3A_504, %parallel_loop3A_507 : i32
        %parallel_loop3A_509 = arith.cmpi ne, %parallel_loop3A_501, %parallel_loop3A_508 : i32
        %parallel_loop3A_510 = arith.remsi %parallel_loop3A_492, %parallel_loop3A_493 : i32
        %parallel_loop3A_511 = arith.constant 0 : i32
        %parallel_loop3A_512 = arith.cmpi ne, %parallel_loop3A_510, %parallel_loop3A_511 : i32
        %parallel_loop3A_513 = arith.andi %parallel_loop3A_509, %parallel_loop3A_512 : i1
        %parallel_loop3A_514 = arith.constant 1 : i32
        %parallel_loop3A_515 = arith.subi %parallel_loop3A_494, %parallel_loop3A_514 : i32
        %parallel_loop3A_516 = arith.select %parallel_loop3A_513, %parallel_loop3A_515, %parallel_loop3A_494 : i32
        %parallel_loop3A_517 = arith.constant 64 : i32
        %parallel_loop3A_518 = arith.constant 0 : i32
        %parallel_loop3A_519 = arith.cmpi eq, %parallel_loop3A_517, %parallel_loop3A_518 : i32
        %parallel_loop3A_520 = arith.constant 1 : i32
        %parallel_loop3A_521 = arith.select %parallel_loop3A_519, %parallel_loop3A_520, %parallel_loop3A_517 : i32
        %parallel_loop3A_522 = arith.remsi %parallel_loop3A_492, %parallel_loop3A_521 : i32
        %parallel_loop3A_523 = arith.constant 0 : i32
        %parallel_loop3A_524 = arith.cmpi ne, %parallel_loop3A_522, %parallel_loop3A_523 : i32
        %parallel_loop3A_525 = arith.constant 0 : i32
        %parallel_loop3A_526 = arith.cmpi slt, %parallel_loop3A_522, %parallel_loop3A_525 : i32
        %parallel_loop3A_527 = arith.constant 0 : i32
        %parallel_loop3A_528 = arith.cmpi slt, %parallel_loop3A_521, %parallel_loop3A_527 : i32
        %parallel_loop3A_529 = arith.xori %parallel_loop3A_526, %parallel_loop3A_528 : i1
        %parallel_loop3A_530 = arith.andi %parallel_loop3A_529, %parallel_loop3A_524 : i1
        %parallel_loop3A_531 = arith.addi %parallel_loop3A_522, %parallel_loop3A_521 : i32
        %parallel_loop3A_532 = arith.select %parallel_loop3A_530, %parallel_loop3A_531, %parallel_loop3A_522 : i32
        %parallel_loop3A_533 = arith.constant 16 : i32
        %parallel_loop3A_534 = arith.muli %parallel_loop3A_532, %parallel_loop3A_533 : i32
        %parallel_loop3A_535 = arith.constant 3 : i32
        %parallel_loop3A_536 = arith.index_cast %parallel_loop3A_535 : i32 to index
        %parallel_loop3A_537 = arith.index_cast %parallel_loop3A_516 : i32 to index
        %parallel_loop3A_538 = arith.index_cast %parallel_loop3A_534 : i32 to index
        %parallel_loop3A_539 = tpu.vector_load %arg6[%parallel_loop3A_536, %parallel_loop3A_537, %parallel_loop3A_538] {strides = array<i32>} : memref<4x4x1024xf32, #tpu.memory_space<vmem>>, vector<1x1x16xf32>,
        %parallel_loop3A_540 = vector.shape_cast %parallel_loop3A_539 : vector<1x1x16xf32> to vector<16xf32>
        %parallel_loop3A_541 = arith.constant 3 : i32
        %parallel_loop3A_542 = arith.constant 0 : i32
        %parallel_loop3A_543 = arith.index_cast %parallel_loop3A_541 : i32 to index
        %parallel_loop3A_544 = arith.index_cast %parallel_loop3A_516 : i32 to index
        %parallel_loop3A_545 = arith.index_cast %parallel_loop3A_542 : i32 to index
        %parallel_loop3A_546 = arith.index_cast %parallel_loop3A_534 : i32 to index
        %parallel_loop3A_547 = tpu.vector_load %arg5[%parallel_loop3A_543, %parallel_loop3A_544, %parallel_loop3A_545, %parallel_loop3A_546] {strides = array<i32>} : memref<4x4x4x1024xf32, #tpu.memory_space<vmem>>, vector<1x1x1x16xf32>,
        %parallel_loop3A_548 = vector.shape_cast %parallel_loop3A_547 : vector<1x1x1x16xf32> to vector<16xf32>
        %parallel_loop3A_549 = arith.addf %parallel_loop3A_548, %parallel_loop3A_540 : vector<16xf32>
        %parallel_loop3A_550 = arith.constant 3 : i32
        %parallel_loop3A_551 = arith.constant 0 : i32
        %parallel_loop3A_552 = arith.index_cast %parallel_loop3A_550 : i32 to index
        %parallel_loop3A_553 = arith.index_cast %parallel_loop3A_516 : i32 to index
        %parallel_loop3A_554 = arith.index_cast %parallel_loop3A_551 : i32 to index
        %parallel_loop3A_555 = arith.index_cast %parallel_loop3A_534 : i32 to index
        %parallel_loop3A_556 = tpu.vector_load %arg5[%parallel_loop3A_552, %parallel_loop3A_553, %parallel_loop3A_554, %parallel_loop3A_555] {strides = array<i32>} : memref<4x4x4x1024xf32, #tpu.memory_space<vmem>>, vector<1x1x1x16xf32>,
        %parallel_loop3A_557 = vector.shape_cast %parallel_loop3A_556 : vector<1x1x1x16xf32> to vector<16xf32>
        %parallel_loop3A_558 = vector.shape_cast %parallel_loop3A_549 : vector<16xf32> to vector<1x1x1x16xf32>
        tpu.vector_store %arg5[%parallel_loop3A_552, %parallel_loop3A_553, %parallel_loop3A_554, %parallel_loop3A_555], %parallel_loop3A_558 {strides = array<i32>} : memref<4x4x4x1024xf32, #tpu.memory_space<vmem>>, vector<1x1x1x16xf32>,
        %parallel_loop3A_559 = arith.constant 3 : i32
        %parallel_loop3A_560 = arith.constant 1 : i32
        %parallel_loop3A_561 = arith.index_cast %parallel_loop3A_559 : i32 to index
        %parallel_loop3A_562 = arith.index_cast %parallel_loop3A_516 : i32 to index
        %parallel_loop3A_563 = arith.index_cast %parallel_loop3A_560 : i32 to index
        %parallel_loop3A_564 = arith.index_cast %parallel_loop3A_534 : i32 to index
        %parallel_loop3A_565 = tpu.vector_load %arg5[%parallel_loop3A_561, %parallel_loop3A_562, %parallel_loop3A_563, %parallel_loop3A_564] {strides = array<i32>} : memref<4x4x4x1024xf32, #tpu.memory_space<vmem>>, vector<1x1x1x16xf32>,
        %parallel_loop3A_566 = vector.shape_cast %parallel_loop3A_565 : vector<1x1x1x16xf32> to vector<16xf32>
        %parallel_loop3A_567 = arith.addf %parallel_loop3A_566, %parallel_loop3A_540 : vector<16xf32>
        %parallel_loop3A_568 = arith.constant 3 : i32
        %parallel_loop3A_569 = arith.constant 1 : i32
        %parallel_loop3A_570 = arith.index_cast %parallel_loop3A_568 : i32 to index
        %parallel_loop3A_571 = arith.index_cast %parallel_loop3A_516 : i32 to index
        %parallel_loop3A_572 = arith.index_cast %parallel_loop3A_569 : i32 to index
        %parallel_loop3A_573 = arith.index_cast %parallel_loop3A_534 : i32 to index
        %parallel_loop3A_574 = tpu.vector_load %arg5[%parallel_loop3A_570, %parallel_loop3A_571, %parallel_loop3A_572, %parallel_loop3A_573] {strides = array<i32>} : memref<4x4x4x1024xf32, #tpu.memory_space<vmem>>, vector<1x1x1x16xf32>,
        %parallel_loop3A_575 = vector.shape_cast %parallel_loop3A_574 : vector<1x1x1x16xf32> to vector<16xf32>
        %parallel_loop3A_576 = vector.shape_cast %parallel_loop3A_567 : vector<16xf32> to vector<1x1x1x16xf32>
        tpu.vector_store %arg5[%parallel_loop3A_570, %parallel_loop3A_571, %parallel_loop3A_572, %parallel_loop3A_573], %parallel_loop3A_576 {strides = array<i32>} : memref<4x4x4x1024xf32, #tpu.memory_space<vmem>>, vector<1x1x1x16xf32>,
        %parallel_loop3A_577 = arith.constant 3 : i32
        %parallel_loop3A_578 = arith.constant 2 : i32
        %parallel_loop3A_579 = arith.index_cast %parallel_loop3A_577 : i32 to index
        %parallel_loop3A_580 = arith.index_cast %parallel_loop3A_516 : i32 to index
        %parallel_loop3A_581 = arith.index_cast %parallel_loop3A_578 : i32 to index
        %parallel_loop3A_582 = arith.index_cast %parallel_loop3A_534 : i32 to index
        %parallel_loop3A_583 = tpu.vector_load %arg5[%parallel_loop3A_579, %parallel_loop3A_580, %parallel_loop3A_581, %parallel_loop3A_582] {strides = array<i32>} : memref<4x4x4x1024xf32, #tpu.memory_space<vmem>>, vector<1x1x1x16xf32>,
        %parallel_loop3A_584 = vector.shape_cast %parallel_loop3A_583 : vector<1x1x1x16xf32> to vector<16xf32>
        %parallel_loop3A_585 = arith.addf %parallel_loop3A_584, %parallel_loop3A_540 : vector<16xf32>
        %parallel_loop3A_586 = arith.constant 3 : i32
        %parallel_loop3A_587 = arith.constant 2 : i32
        %parallel_loop3A_588 = arith.index_cast %parallel_loop3A_586 : i32 to index
        %parallel_loop3A_589 = arith.index_cast %parallel_loop3A_516 : i32 to index
        %parallel_loop3A_590 = arith.index_cast %parallel_loop3A_587 : i32 to index
        %parallel_loop3A_591 = arith.index_cast %parallel_loop3A_534 : i32 to index
        %parallel_loop3A_592 = tpu.vector_load %arg5[%parallel_loop3A_588, %parallel_loop3A_589, %parallel_loop3A_590, %parallel_loop3A_591] {strides = array<i32>} : memref<4x4x4x1024xf32, #tpu.memory_space<vmem>>, vector<1x1x1x16xf32>,
        %parallel_loop3A_593 = vector.shape_cast %parallel_loop3A_592 : vector<1x1x1x16xf32> to vector<16xf32>
        %parallel_loop3A_594 = vector.shape_cast %parallel_loop3A_585 : vector<16xf32> to vector<1x1x1x16xf32>
        tpu.vector_store %arg5[%parallel_loop3A_588, %parallel_loop3A_589, %parallel_loop3A_590, %parallel_loop3A_591], %parallel_loop3A_594 {strides = array<i32>} : memref<4x4x4x1024xf32, #tpu.memory_space<vmem>>, vector<1x1x1x16xf32>,
        %parallel_loop3A_595 = arith.constant 3 : i32
        %parallel_loop3A_596 = arith.constant 3 : i32
        %parallel_loop3A_597 = arith.index_cast %parallel_loop3A_595 : i32 to index
        %parallel_loop3A_598 = arith.index_cast %parallel_loop3A_516 : i32 to index
        %parallel_loop3A_599 = arith.index_cast %parallel_loop3A_596 : i32 to index
        %parallel_loop3A_600 = arith.index_cast %parallel_loop3A_534 : i32 to index
        %parallel_loop3A_601 = tpu.vector_load %arg5[%parallel_loop3A_597, %parallel_loop3A_598, %parallel_loop3A_599, %parallel_loop3A_600] {strides = array<i32>} : memref<4x4x4x1024xf32, #tpu.memory_space<vmem>>, vector<1x1x1x16xf32>,
        %parallel_loop3A_602 = vector.shape_cast %parallel_loop3A_601 : vector<1x1x1x16xf32> to vector<16xf32>
        %parallel_loop3A_603 = arith.addf %parallel_loop3A_602, %parallel_loop3A_540 : vector<16xf32>
        %parallel_loop3A_604 = arith.constant 3 : i32
        %parallel_loop3A_605 = arith.constant 3 : i32
        %parallel_loop3A_606 = arith.index_cast %parallel_loop3A_604 : i32 to index
        %parallel_loop3A_607 = arith.index_cast %parallel_loop3A_516 : i32 to index
        %parallel_loop3A_608 = arith.index_cast %parallel_loop3A_605 : i32 to index
        %parallel_loop3A_609 = arith.index_cast %parallel_loop3A_534 : i32 to index
        %parallel_loop3A_610 = tpu.vector_load %arg5[%parallel_loop3A_606, %parallel_loop3A_607, %parallel_loop3A_608, %parallel_loop3A_609] {strides = array<i32>} : memref<4x4x4x1024xf32, #tpu.memory_space<vmem>>, vector<1x1x1x16xf32>,
        %parallel_loop3A_611 = vector.shape_cast %parallel_loop3A_610 : vector<1x1x1x16xf32> to vector<16xf32>
        %parallel_loop3A_612 = vector.shape_cast %parallel_loop3A_603 : vector<16xf32> to vector<1x1x1x16xf32>
        tpu.vector_store %arg5[%parallel_loop3A_606, %parallel_loop3A_607, %parallel_loop3A_608, %parallel_loop3A_609], %parallel_loop3A_612 {strides = array<i32>} : memref<4x4x4x1024xf32, #tpu.memory_space<vmem>>, vector<1x1x1x16xf32>,
      } {sc.loop_unroll_factor = 4 : i64, sc.parallel_access}
      %mul3A_460 = arith.constant 4 : i32
      %mul3A_461 = arith.muli %add3A_423, %mul3A_460 : i32
      %add3A_462 = arith.addi %mul3A_2, %mul3A_461 : i32
      %dma_start3A_463 = arith.constant 3 : i32
      %dma_start3A_464 = arith.constant 0 : i32
      %dma_start3A_465 = arith.constant 0 : i32
      %dma_start3A_466 = arith.constant 0 : i32
      %dma_start3A_467 = tpu.memref_slice %arg5[%dma_start3A_463, %dma_start3A_464, %dma_start3A_465, %dma_start3A_466] : memref<4x4x4x1024xf32, #tpu.memory_space<vmem>> -> memref<1x4x4x1024xf32, #tpu.memory_space<vmem>>
      %dma_start3A_468 = tpu.memref_squeeze %dma_start3A_467 : memref<1x4x4x1024xf32, #tpu.memory_space<vmem>> -> memref<4x4x1024xf32, #tpu.memory_space<vmem>>
      %dma_start3A_469 = arith.constant 0 : i32
      %dma_start3A_470 = arith.constant 0 : i32
      %dma_start3A_471 = tpu.memref_slice %arg4[%add3A_462, %dma_start3A_469, %dma_start3A_470] : memref<2048x4x1024xf32, #tpu.memory_space<hbm>> -> memref<4x4x1024xf32, #tpu.memory_space<hbm>>
      %dma_start3A_472 = arith.constant 0 : i32
      %dma_start3A_473 = arith.constant 0 : i32
      %dma_start3A_474 = tpu.memref_slice %arg4[%add3A_462, %dma_start3A_472, %dma_start3A_473] : memref<2048x4x1024xf32, #tpu.memory_space<hbm>> -> memref<4x4x1024xf32, #tpu.memory_space<hbm>>
      %dma_start3A_475 = arith.constant 0 : i32
      %dma_start3A_476 = arith.constant 0 : i32
      %dma_start3A_477 = arith.constant 0 : i32
      %dma_start3A_478 = tpu.memref_slice %arg5[%dma_start3A_463, %dma_start3A_475, %dma_start3A_476, %dma_start3A_477] : memref<4x4x4x1024xf32, #tpu.memory_space<vmem>> -> memref<1x4x4x1024xf32, #tpu.memory_space<vmem>>
      %dma_start3A_479 = tpu.memref_squeeze %dma_start3A_478 : memref<1x4x4x1024xf32, #tpu.memory_space<vmem>> -> memref<4x4x1024xf32, #tpu.memory_space<vmem>>
      tpu.enqueue_dma source(%dma_start3A_479 : memref<4x4x1024xf32, #tpu.memory_space<vmem>>) target(%dma_start3A_474 : memref<4x4x1024xf32, #tpu.memory_space<hbm>>) target_semaphore(%arg18 : memref<!tpu.dma_semaphore, #tpu.memory_space<semaphore_mem>>)
      %sub3A_480 = arith.constant 2 : i32
      %sub3A_481 = arith.subi %add3A_423, %sub3A_480 : i32
      %ge3A_482 = arith.constant 0 : i32
      %ge3A_483 = arith.cmpi sge, %sub3A_481, %ge3A_482 : i32
      %add3A_484 = arith.constant 2 : i32
      %add3A_485 = arith.addi %add3A_423, %add3A_484 : i32
      %lt3A_486 = arith.constant 16 : i32
      %lt3A_487 = arith.cmpi slt, %add3A_485, %lt3A_486 : i32
      %and3A_488 = arith.andi %ge3A_483, %lt3A_487 : i1
      %convert_element_type3A_489 = arith.extui %and3A_488 : i1 to i32
      %cond3A_490 = arith.constant 0 : i32
      %cond3A_491 = arith.cmpi ne, %convert_element_type3A_489, %cond3A_490 : i32
      scf.if %cond3A_491 {
        %sub3A_492 = arith.constant 2 : i32
        %sub3A_493 = arith.subi %add3A_423, %sub3A_492 : i32
        %mul3A_494 = arith.constant 4 : i32
        %mul3A_495 = arith.muli %sub3A_493, %mul3A_494 : i32
        %add3A_496 = arith.addi %mul3A_2, %mul3A_495 : i32
        %dma_wait3A_497 = arith.constant 1 : i32
        %dma_wait3A_498 = arith.constant 0 : i32
        %dma_wait3A_499 = arith.constant 0 : i32
        %dma_wait3A_500 = arith.constant 0 : i32
        %dma_wait3A_501 = tpu.memref_slice %arg5[%dma_wait3A_497, %dma_wait3A_498, %dma_wait3A_499, %dma_wait3A_500] : memref<4x4x4x1024xf32, #tpu.memory_space<vmem>> -> memref<1x4x4x1024xf32, #tpu.memory_space<vmem>>
        %dma_wait3A_502 = tpu.memref_squeeze %dma_wait3A_501 : memref<1x4x4x1024xf32, #tpu.memory_space<vmem>> -> memref<4x4x1024xf32, #tpu.memory_space<vmem>>
        %dma_wait3A_503 = arith.constant 0 : i32
        %dma_wait3A_504 = arith.constant 0 : i32
        %dma_wait3A_505 = tpu.memref_slice %arg4[%add3A_496, %dma_wait3A_503, %dma_wait3A_504] : memref<2048x4x1024xf32, #tpu.memory_space<hbm>> -> memref<4x4x1024xf32, #tpu.memory_space<hbm>>
        %dma_wait3A_506 = arith.constant 0 : i32
        %dma_wait3A_507 = arith.constant 0 : i32
        %dma_wait3A_508 = tpu.memref_slice %arg4[%add3A_496, %dma_wait3A_506, %dma_wait3A_507] : memref<2048x4x1024xf32, #tpu.memory_space<hbm>> -> memref<4x4x1024xf32, #tpu.memory_space<hbm>>
        %dma_wait3A_509 = arith.constant 0 : i32
        %dma_wait3A_510 = arith.constant 0 : i32
        %dma_wait3A_511 = arith.constant 0 : i32
        %dma_wait3A_512 = tpu.memref_slice %arg5[%dma_wait3A_497, %dma_wait3A_509, %dma_wait3A_510, %dma_wait3A_511] : memref<4x4x4x1024xf32, #tpu.memory_space<vmem>> -> memref<1x4x4x1024xf32, #tpu.memory_space<vmem>>
        %dma_wait3A_513 = tpu.memref_squeeze %dma_wait3A_512 : memref<1x4x4x1024xf32, #tpu.memory_space<vmem>> -> memref<4x4x1024xf32, #tpu.memory_space<vmem>>
        tpu.wait_dma2 semaphore(%arg16 : memref<!tpu.dma_semaphore, #tpu.memory_space<semaphore_mem>>) src(%dma_wait3A_513 : memref<4x4x1024xf32, #tpu.memory_space<vmem>>) dst(%dma_wait3A_508 : memref<4x4x1024xf32, #tpu.memory_space<hbm>>)
        %add3A_514 = arith.constant 2 : i32
        %add3A_515 = arith.addi %add3A_423, %add3A_514 : i32
        %mul3A_516 = arith.constant 4 : i32
        %mul3A_517 = arith.muli %add3A_515, %mul3A_516 : i32
        %add3A_518 = arith.addi %mul3A_2, %mul3A_517 : i32
        %dma_start3A_519 = arith.constant 1 : i32
        %dma_start3A_520 = arith.constant 0 : i32
        %dma_start3A_521 = arith.constant 0 : i32
        %dma_start3A_522 = arith.constant 0 : i32
        %dma_start3A_523 = tpu.memref_slice %arg5[%dma_start3A_519, %dma_start3A_520, %dma_start3A_521, %dma_start3A_522] : memref<4x4x4x1024xf32, #tpu.memory_space<vmem>> -> memref<1x4x4x1024xf32, #tpu.memory_space<vmem>>
        %dma_start3A_524 = tpu.memref_squeeze %dma_start3A_523 : memref<1x4x4x1024xf32, #tpu.memory_space<vmem>> -> memref<4x4x1024xf32, #tpu.memory_space<vmem>>
        %dma_start3A_525 = arith.constant 0 : i32
        %dma_start3A_526 = arith.constant 0 : i32
        %dma_start3A_527 = tpu.memref_slice %arg2[%add3A_518, %dma_start3A_525, %dma_start3A_526] : memref<2048x4x1024xf32, #tpu.memory_space<hbm>> -> memref<4x4x1024xf32, #tpu.memory_space<hbm>>
        %dma_start3A_528 = arith.constant 0 : i32
        %dma_start3A_529 = arith.constant 0 : i32
        %dma_start3A_530 = arith.constant 0 : i32
        %dma_start3A_531 = tpu.memref_slice %arg5[%dma_start3A_519, %dma_start3A_528, %dma_start3A_529, %dma_start3A_530] : memref<4x4x4x1024xf32, #tpu.memory_space<vmem>> -> memref<1x4x4x1024xf32, #tpu.memory_space<vmem>>
        %dma_start3A_532 = tpu.memref_squeeze %dma_start3A_531 : memref<1x4x4x1024xf32, #tpu.memory_space<vmem>> -> memref<4x4x1024xf32, #tpu.memory_space<vmem>>
        %dma_start3A_533 = arith.constant 0 : i32
        %dma_start3A_534 = arith.constant 0 : i32
        %dma_start3A_535 = tpu.memref_slice %arg2[%add3A_518, %dma_start3A_533, %dma_start3A_534] : memref<2048x4x1024xf32, #tpu.memory_space<hbm>> -> memref<4x4x1024xf32, #tpu.memory_space<hbm>>
        tpu.enqueue_dma source(%dma_start3A_535 : memref<4x4x1024xf32, #tpu.memory_space<hbm>>) target(%dma_start3A_532 : memref<4x4x1024xf32, #tpu.memory_space<vmem>>) target_semaphore(%arg8 : memref<!tpu.dma_semaphore, #tpu.memory_space<semaphore_mem>>)
        %dma_start3A_536 = arith.constant 1 : i32
        %dma_start3A_537 = arith.constant 0 : i32
        %dma_start3A_538 = arith.constant 0 : i32
        %dma_start3A_539 = tpu.memref_slice %arg6[%dma_start3A_536, %dma_start3A_537, %dma_start3A_538] : memref<4x4x1024xf32, #tpu.memory_space<vmem>> -> memref<1x4x1024xf32, #tpu.memory_space<vmem>>
        %dma_start3A_540 = tpu.memref_squeeze %dma_start3A_539 : memref<1x4x1024xf32, #tpu.memory_space<vmem>> -> memref<4x1024xf32, #tpu.memory_space<vmem>>
        %dma_start3A_541 = arith.constant 0 : i32
        %dma_start3A_542 = tpu.memref_slice %arg3[%add3A_518, %dma_start3A_541] : memref<2048x1024xf32, #tpu.memory_space<hbm>> -> memref<4x1024xf32, #tpu.memory_space<hbm>>
        %dma_start3A_543 = arith.constant 0 : i32
        %dma_start3A_544 = arith.constant 0 : i32
        %dma_start3A_545 = tpu.memref_slice %arg6[%dma_start3A_536, %dma_start3A_543, %dma_start3A_544] : memref<4x4x1024xf32, #tpu.memory_space<vmem>> -> memref<1x4x1024xf32, #tpu.memory_space<vmem>>
        %dma_start3A_546 = tpu.memref_squeeze %dma_start3A_545 : memref<1x4x1024xf32, #tpu.memory_space<vmem>> -> memref<4x1024xf32, #tpu.memory_space<vmem>>
        %dma_start3A_547 = arith.constant 0 : i32
        %dma_start3A_548 = tpu.memref_slice %arg3[%add3A_518, %dma_start3A_547] : memref<2048x1024xf32, #tpu.memory_space<hbm>> -> memref<4x1024xf32, #tpu.memory_space<hbm>>
        tpu.enqueue_dma source(%dma_start3A_548 : memref<4x1024xf32, #tpu.memory_space<hbm>>) target(%dma_start3A_546 : memref<4x1024xf32, #tpu.memory_space<vmem>>) target_semaphore(%arg12 : memref<!tpu.dma_semaphore, #tpu.memory_space<semaphore_mem>>)
      } else {
      }
    }
    %scan3A_134 = arith.constant 4 : i32
    %add3A_135 = arith.constant 48 : i32
    %add3A_136 = arith.addi %mul3A_2, %add3A_135 : i32
    %dma_wait3A = arith.constant 0 : i32
    %dma_wait3A_137 = arith.constant 0 : i32
    %dma_wait3A_138 = arith.constant 0 : i32
    %dma_wait3A_139 = arith.constant 0 : i32
    %dma_wait3A_140 = tpu.memref_slice %arg5[%dma_wait3A, %dma_wait3A_137, %dma_wait3A_138, %dma_wait3A_139] : memref<4x4x4x1024xf32, #tpu.memory_space<vmem>> -> memref<1x4x4x1024xf32, #tpu.memory_space<vmem>>
    %dma_wait3A_141 = tpu.memref_squeeze %dma_wait3A_140 : memref<1x4x4x1024xf32, #tpu.memory_space<vmem>> -> memref<4x4x1024xf32, #tpu.memory_space<vmem>>
    %dma_wait3A_142 = arith.constant 0 : i32
    %dma_wait3A_143 = arith.constant 0 : i32
    %dma_wait3A_144 = tpu.memref_slice %arg4[%add3A_136, %dma_wait3A_142, %dma_wait3A_143] : memref<2048x4x1024xf32, #tpu.memory_space<hbm>> -> memref<4x4x1024xf32, #tpu.memory_space<hbm>>
    %dma_wait3A_145 = arith.constant 0 : i32
    %dma_wait3A_146 = arith.constant 0 : i32
    %dma_wait3A_147 = tpu.memref_slice %arg4[%add3A_136, %dma_wait3A_145, %dma_wait3A_146] : memref<2048x4x1024xf32, #tpu.memory_space<hbm>> -> memref<4x4x1024xf32, #tpu.memory_space<hbm>>
    %dma_wait3A_148 = arith.constant 0 : i32
    %dma_wait3A_149 = arith.constant 0 : i32
    %dma_wait3A_150 = arith.constant 0 : i32
    %dma_wait3A_151 = tpu.memref_slice %arg5[%dma_wait3A, %dma_wait3A_148, %dma_wait3A_149, %dma_wait3A_150] : memref<4x4x4x1024xf32, #tpu.memory_space<vmem>> -> memref<1x4x4x1024xf32, #tpu.memory_space<vmem>>
    %dma_wait3A_152 = tpu.memref_squeeze %dma_wait3A_151 : memref<1x4x4x1024xf32, #tpu.memory_space<vmem>> -> memref<4x4x1024xf32, #tpu.memory_space<vmem>>
    tpu.wait_dma2 semaphore(%arg15 : memref<!tpu.dma_semaphore, #tpu.memory_space<semaphore_mem>>) src(%dma_wait3A_152 : memref<4x4x1024xf32, #tpu.memory_space<vmem>>) dst(%dma_wait3A_147 : memref<4x4x1024xf32, #tpu.memory_space<hbm>>)
    %add3A_153 = arith.constant 52 : i32
    %add3A_154 = arith.addi %mul3A_2, %add3A_153 : i32
    %dma_wait3A_155 = arith.constant 1 : i32
    %dma_wait3A_156 = arith.constant 0 : i32
    %dma_wait3A_157 = arith.constant 0 : i32
    %dma_wait3A_158 = arith.constant 0 : i32
    %dma_wait3A_159 = tpu.memref_slice %arg5[%dma_wait3A_155, %dma_wait3A_156, %dma_wait3A_157, %dma_wait3A_158] : memref<4x4x4x1024xf32, #tpu.memory_space<vmem>> -> memref<1x4x4x1024xf32, #tpu.memory_space<vmem>>
    %dma_wait3A_160 = tpu.memref_squeeze %dma_wait3A_159 : memref<1x4x4x1024xf32, #tpu.memory_space<vmem>> -> memref<4x4x1024xf32, #tpu.memory_space<vmem>>
    %dma_wait3A_161 = arith.constant 0 : i32
    %dma_wait3A_162 = arith.constant 0 : i32
    %dma_wait3A_163 = tpu.memref_slice %arg4[%add3A_154, %dma_wait3A_161, %dma_wait3A_162] : memref<2048x4x1024xf32, #tpu.memory_space<hbm>> -> memref<4x4x1024xf32, #tpu.memory_space<hbm>>
    %dma_wait3A_164 = arith.constant 0 : i32
    %dma_wait3A_165 = arith.constant 0 : i32
    %dma_wait3A_166 = tpu.memref_slice %arg4[%add3A_154, %dma_wait3A_164, %dma_wait3A_165] : memref<2048x4x1024xf32, #tpu.memory_space<hbm>> -> memref<4x4x1024xf32, #tpu.memory_space<hbm>>
    %dma_wait3A_167 = arith.constant 0 : i32
    %dma_wait3A_168 = arith.constant 0 : i32
    %dma_wait3A_169 = arith.constant 0 : i32
    %dma_wait3A_170 = tpu.memref_slice %arg5[%dma_wait3A_155, %dma_wait3A_167, %dma_wait3A_168, %dma_wait3A_169] : memref<4x4x4x1024xf32, #tpu.memory_space<vmem>> -> memref<1x4x4x1024xf32, #tpu.memory_space<vmem>>
    %dma_wait3A_171 = tpu.memref_squeeze %dma_wait3A_170 : memref<1x4x4x1024xf32, #tpu.memory_space<vmem>> -> memref<4x4x1024xf32, #tpu.memory_space<vmem>>
    tpu.wait_dma2 semaphore(%arg16 : memref<!tpu.dma_semaphore, #tpu.memory_space<semaphore_mem>>) src(%dma_wait3A_171 : memref<4x4x1024xf32, #tpu.memory_space<vmem>>) dst(%dma_wait3A_166 : memref<4x4x1024xf32, #tpu.memory_space<hbm>>)
    %add3A_172 = arith.constant 56 : i32
    %add3A_173 = arith.addi %mul3A_2, %add3A_172 : i32
    %dma_wait3A_174 = arith.constant 2 : i32
    %dma_wait3A_175 = arith.constant 0 : i32
    %dma_wait3A_176 = arith.constant 0 : i32
    %dma_wait3A_177 = arith.constant 0 : i32
    %dma_wait3A_178 = tpu.memref_slice %arg5[%dma_wait3A_174, %dma_wait3A_175, %dma_wait3A_176, %dma_wait3A_177] : memref<4x4x4x1024xf32, #tpu.memory_space<vmem>> -> memref<1x4x4x1024xf32, #tpu.memory_space<vmem>>
    %dma_wait3A_179 = tpu.memref_squeeze %dma_wait3A_178 : memref<1x4x4x1024xf32, #tpu.memory_space<vmem>> -> memref<4x4x1024xf32, #tpu.memory_space<vmem>>
    %dma_wait3A_180 = arith.constant 0 : i32
    %dma_wait3A_181 = arith.constant 0 : i32
    %dma_wait3A_182 = tpu.memref_slice %arg4[%add3A_173, %dma_wait3A_180, %dma_wait3A_181] : memref<2048x4x1024xf32, #tpu.memory_space<hbm>> -> memref<4x4x1024xf32, #tpu.memory_space<hbm>>
    %dma_wait3A_183 = arith.constant 0 : i32
    %dma_wait3A_184 = arith.constant 0 : i32
    %dma_wait3A_185 = tpu.memref_slice %arg4[%add3A_173, %dma_wait3A_183, %dma_wait3A_184] : memref<2048x4x1024xf32, #tpu.memory_space<hbm>> -> memref<4x4x1024xf32, #tpu.memory_space<hbm>>
    %dma_wait3A_186 = arith.constant 0 : i32
    %dma_wait3A_187 = arith.constant 0 : i32
    %dma_wait3A_188 = arith.constant 0 : i32
    %dma_wait3A_189 = tpu.memref_slice %arg5[%dma_wait3A_174, %dma_wait3A_186, %dma_wait3A_187, %dma_wait3A_188] : memref<4x4x4x1024xf32, #tpu.memory_space<vmem>> -> memref<1x4x4x1024xf32, #tpu.memory_space<vmem>>
    %dma_wait3A_190 = tpu.memref_squeeze %dma_wait3A_189 : memref<1x4x4x1024xf32, #tpu.memory_space<vmem>> -> memref<4x4x1024xf32, #tpu.memory_space<vmem>>
    tpu.wait_dma2 semaphore(%arg17 : memref<!tpu.dma_semaphore, #tpu.memory_space<semaphore_mem>>) src(%dma_wait3A_190 : memref<4x4x1024xf32, #tpu.memory_space<vmem>>) dst(%dma_wait3A_185 : memref<4x4x1024xf32, #tpu.memory_space<hbm>>)
    %add3A_191 = arith.constant 60 : i32
    %add3A_192 = arith.addi %mul3A_2, %add3A_191 : i32
    %dma_wait3A_193 = arith.constant 3 : i32
    %dma_wait3A_194 = arith.constant 0 : i32
    %dma_wait3A_195 = arith.constant 0 : i32
    %dma_wait3A_196 = arith.constant 0 : i32
    %dma_wait3A_197 = tpu.memref_slice %arg5[%dma_wait3A_193, %dma_wait3A_194, %dma_wait3A_195, %dma_wait3A_196] : memref<4x4x4x1024xf32, #tpu.memory_space<vmem>> -> memref<1x4x4x1024xf32, #tpu.memory_space<vmem>>
    %dma_wait3A_198 = tpu.memref_squeeze %dma_wait3A_197 : memref<1x4x4x1024xf32, #tpu.memory_space<vmem>> -> memref<4x4x1024xf32, #tpu.memory_space<vmem>>
    %dma_wait3A_199 = arith.constant 0 : i32
    %dma_wait3A_200 = arith.constant 0 : i32
    %dma_wait3A_201 = tpu.memref_slice %arg4[%add3A_192, %dma_wait3A_199, %dma_wait3A_200] : memref<2048x4x1024xf32, #tpu.memory_space<hbm>> -> memref<4x4x1024xf32, #tpu.memory_space<hbm>>
    %dma_wait3A_202 = arith.constant 0 : i32
    %dma_wait3A_203 = arith.constant 0 : i32
    %dma_wait3A_204 = tpu.memref_slice %arg4[%add3A_192, %dma_wait3A_202, %dma_wait3A_203] : memref<2048x4x1024xf32, #tpu.memory_space<hbm>> -> memref<4x4x1024xf32, #tpu.memory_space<hbm>>
    %dma_wait3A_205 = arith.constant 0 : i32
    %dma_wait3A_206 = arith.constant 0 : i32
    %dma_wait3A_207 = arith.constant 0 : i32
    %dma_wait3A_208 = tpu.memref_slice %arg5[%dma_wait3A_193, %dma_wait3A_205, %dma_wait3A_206, %dma_wait3A_207] : memref<4x4x4x1024xf32, #tpu.memory_space<vmem>> -> memref<1x4x4x1024xf32, #tpu.memory_space<vmem>>
    %dma_wait3A_209 = tpu.memref_squeeze %dma_wait3A_208 : memref<1x4x4x1024xf32, #tpu.memory_space<vmem>> -> memref<4x4x1024xf32, #tpu.memory_space<vmem>>
    tpu.wait_dma2 semaphore(%arg18 : memref<!tpu.dma_semaphore, #tpu.memory_space<semaphore_mem>>) src(%dma_wait3A_209 : memref<4x4x1024xf32, #tpu.memory_space<vmem>>) dst(%dma_wait3A_204 : memref<4x4x1024xf32, #tpu.memory_space<hbm>>)
    return
  }
}

</mosaic_0001>

<sc_bundles>
// kernel: kernel.3.cloned.1.call-start
scs
__scs_entry_jumppad:
0x0: {  	(pc) =	sbr.rel $0x88, $3  }
0x1: {  	(tag) =	ssettag $0x0;
	lr =	simm.s32 $0x1  }
0x2: {  	[smem:$0x3F9F] =	sst lr;
	_ =	strace $0xD0000000  }
0x3: {  	_ = 	snop  }
0x4: {  	_ = 	snop  }
0x5: {  	_ = 	snop  }
0x6: {  	_ = 	snop  }
0x7: {  	_ = 	snop  }
__scs_overlays_trampoline_lowered:
0x8: {  	[smem:$0x3FAE] =	sst s0  }
0x9: {  	[smem:$0x3FAF] =	sst s1  }
0xa: {  	[smem:$0x3FB0] =	sst s2  }
0xb: {  	[smem:$0x3FB1] =	sst s3  }
0xc: {  	[smem:$0x3FB2] =	sst s4  }
0xd: {  	[smem:$0x3FB3] =	sst s5  }
0xe: {  	[smem:$0x3FB4] =	sst s6  }
0xf: {  	[smem:$0x3FB5] =	sst s7  }
0x10: {  	[smem:$0x3FB6] =	sst s8  }
0x11: {  	[smem:$0x3FB7] =	sst s9;
	s0 =	simm.s32 @!p0 $0x0  }
0x12: {  	s1 =	sld [smem:$0x3F9D];
	s0 =	simm.s32 @p0 $0x1  }
0x13: {  	[smem:$0x3FB8] =	sst s0;
	s0 =	simm.s32 @!p1 $0x0  }
0x14: {  	s2 =	sld [smem:$0x3F9C];
	s0 =	simm.s32 @p1 $0x1  }
0x15: {  	[smem:$0x3FB9] =	sst s0;
	s0 =	simm.s32 @!p2 $0x0  }
0x16: {  	s3 =	sld [smem:$0x3FDB];
	s0 =	simm.s32 @p2 $0x1  }
0x17: {  	s4 =	simm.s32 $0x1BF5;
	[smem:$0x3FBB] =	sst s0  }
0x18: {  	s0 =	sld [smem:$0x3F9E];
	_ =	swait.ge [sflag:s4], $0x0  }
0x19: {  	s7 =	sld [smem:$0x3F9F]  }
0x1a: {  	s8 =	sadd.s32 $0xFFFFE003, lr  }
0x1b: {  	s9 =	sadd.s32 $0xFFFFFEF7, lr;
	s5 =	simm.s32 $0xFFFFFFFF;
	p2 =	slt.u32 s8, $0xFFFFF086  }
0x1c: {  	p1 =	slt.u32 s9, $0xF7A;
	s5 =	simm.s32 @!p2 $0x0  }
0x1d: {  	s5 =	simm.s32 @p1 $0x1;
	p0 =	seq.s32 s7, s2  }
0x1e: {  	s7 =	smul.u32 @!p0 $0xF7A, s2;
	p2 =	seq.s32 @!p0 s5, $0x0  }
0x1f: {  	s9 =	smul.u32 $0xF7A, s1;
	s8 =	simm.s32 @!p0 $0x1BF5;
	p2 =	por !p2, p0  }
0x20: {  	[sflag:s8] =	ssyncset.s32 @!p0 $0xFFFFF086;
	s6 =	sadd.s32 @!p0 s3, s7;
	s7 =	simm.s32 @!p0 $0x108  }
0x21: {  	s3 =	sadd.s32 s3, s9;
	s6 =	sadd.s32 @!p0 $0x88, s6;
	s7 =	simm.s32 @p2 $0x1082  }
0x22: {  	[simem:s7], [sflag:s8] =	dma.local @!p0 [hbm:s6], $0xF7A  }
0x23: {  	s9 =	sor.u32 $0xD0000000, s2;
	s6 =	simm.s32 $0x108;
	_ =	swait.ge @!p0 [sflag:s8], $0x0  }
0x24: {  	s3 =	sadd.s32 $0x88, s3;
	s6 =	simm.s32 @!p1 $0x1082;
	[sflag:s4] =	ssyncset.s32 $0xFFFFF086  }
0x25: {  	[simem:s6], [sflag:s4] =	dma.local [hbm:s3], $0xF7A  }
0x26: {  	[smem:$0x3F9F] =	sst s1;
	(tag) =	ssettag s2;
	_ =	strace s9  }
0x27: {  	s1 =	sld [smem:$0x3FAF]  }
0x28: {  	s2 =	sld [smem:$0x3FB0]  }
0x29: {  	s4 =	sld [smem:$0x3FB2]  }
0x2a: {  	p0 =	seq.s32 s5, $0x0;
	s5 =	sld [smem:$0x3FB3]  }
0x2b: {  	s6 =	sld [smem:$0x3FB4]  }
0x2c: {  	s7 =	sld [smem:$0x3FB5]  }
0x2d: {  	s3 =	simm.s32 $0x108;
	s8 =	sld [smem:$0x3FB6]  }
0x2e: {  	s3 =	simm.s32 @!p0 $0x1082;
	s9 =	sld [smem:$0x3FB7]  }
0x2f: {  	lr =	sadd.s32 s0, s3;
	s0 =	sld [smem:$0x3FAE]  }
0x30: {  	s3 =	sld [smem:$0x3FB1]  }
0x31: {  	[smem:$0x3FBA] =	sst s10  }
0x32: {  	s10 =	sld [smem:$0x3FB8];
	_ =	sdelay $0x3  }
0x33: {  	p0 =	seq.s32 s10, $0x1;
	s10 =	sld [smem:$0x3FBA];
	_ =	sdelay $0x3  }
0x34: {  	[smem:$0x3FBA] =	sst s10  }
0x35: {  	s10 =	sld [smem:$0x3FB9];
	_ =	sdelay $0x3  }
0x36: {  	p1 =	seq.s32 s10, $0x1;
	s10 =	sld [smem:$0x3FBA];
	_ =	sdelay $0x3  }
0x37: {  	[smem:$0x3FBA] =	sst s10  }
0x38: {  	s10 =	sld [smem:$0x3FBB]  }
0x39: {  	_ = 	snop;
	(pc) =	sbr.ind lr, $3  }
0x3a: {  	_ = 	snop  }
0x3b: {  	_ = 	snop  }
0x3c: {  	p2 =	seq.s32 s10, $0x1;
	s10 =	sld [smem:$0x3FBA]  }
0x3d: {  	_ =	shalt  }
0x3e: {  	_ =	shalt  }
0x3f: {  	_ =	shalt  }
0x40: {  	_ =	shalt  }
0x41: {  	_ =	shalt  }
0x42: {  	_ =	shalt  }
0x43: {  	_ =	shalt  }
0x44: {  	_ =	shalt  }
0x45: {  	_ =	shalt  }
0x46: {  	_ =	shalt  }
0x47: {  	_ =	shalt  }
0x48: {  	_ =	shalt  }
0x49: {  	_ =	shalt  }
0x4a: {  	_ =	shalt  }
0x4b: {  	_ =	shalt  }
0x4c: {  	_ =	shalt  }
0x4d: {  	_ =	shalt  }
0x4e: {  	_ =	shalt  }
0x4f: {  	_ =	shalt  }
0x50: {  	_ =	shalt  }
0x51: {  	_ =	shalt  }
0x52: {  	_ =	shalt  }
0x53: {  	_ =	shalt  }
0x54: {  	_ =	shalt  }
0x55: {  	_ =	shalt  }
0x56: {  	_ =	shalt  }
0x57: {  	_ =	shalt  }
0x58: {  	_ =	shalt  }
0x59: {  	_ =	shalt  }
0x5a: {  	_ =	shalt  }
0x5b: {  	_ =	shalt  }
0x5c: {  	_ =	shalt  }
0x5d: {  	_ =	shalt  }
0x5e: {  	_ =	shalt  }
0x5f: {  	_ =	shalt  }
0x60: {  	_ =	shalt  }
0x61: {  	_ =	shalt  }
0x62: {  	_ =	shalt  }
0x63: {  	_ =	shalt  }
0x64: {  	_ =	shalt  }
0x65: {  	_ =	shalt  }
0x66: {  	_ =	shalt  }
0x67: {  	_ =	shalt  }
0x68: {  	_ =	shalt  }
0x69: {  	_ =	shalt  }
0x6a: {  	_ =	shalt  }
0x6b: {  	_ =	shalt  }
0x6c: {  	_ =	shalt  }
0x6d: {  	_ =	shalt  }
0x6e: {  	_ =	shalt  }
0x6f: {  	_ =	shalt  }
0x70: {  	_ =	shalt  }
0x71: {  	_ =	shalt  }
0x72: {  	_ =	shalt  }
0x73: {  	_ =	shalt  }
0x74: {  	_ =	shalt  }
0x75: {  	_ =	shalt  }
0x76: {  	_ =	shalt  }
0x77: {  	_ =	shalt  }
0x78: {  	_ =	shalt  }
0x79: {  	_ =	shalt  }
0x7a: {  	_ =	shalt  }
0x7b: {  	_ =	shalt  }
0x7c: {  	_ =	shalt  }
0x7d: {  	_ =	shalt  }
0x7e: {  	_ =	shalt  }
0x7f: {  	_ =	shalt  }
0x80: {  	_ =	shalt  }
0x81: {  	_ =	shalt  }
0x82: {  	_ =	shalt  }
0x83: {  	_ =	shalt  }
0x84: {  	_ =	shalt  }
0x85: {  	_ =	shalt  }
0x86: {  	_ =	shalt  }
0x87: {  	_ =	shalt  }
.Lfunc_end0:
.L_simem_size_0:
called_computation_lowered:
.L_overlay_start_0:
0x88: {  	s2 =	sld [smem:$0x3FD9]  }
0x89: {  	s3 =	sld [smem:$0x3FFE];
	_ =	sdelay $0x1  }
0x8a: {  	s1 =	srdreg.scid  }
0x8b: {  	s0 =	sand.u32 $0x1, s1  }
0x8c: {  	s18 =	sshll.u32 s0, $0xA;
	s2 =	sadd.s32 s3, s2  }
0x8d: {  	s2 =	sadd.s32 s2, s18  }
0x8e: {  	[smem:$0x3FC6] =	sst s2  }
0x8f: {  	_ = 	snop  }
0x90: {  	s2 =	sld [smem:$0x3FC9]  }
0x91: {  	s19 =	sld [smem:$0x3FC8]  }
0x92: {  	s4 =	sld [smem:$0x3FD0];
	(tm) =	ssettm $0x1  }
0x93: {  	s5 =	sld [smem:$0x3FFB];
	_ =	sdelay $0x3  }
0x94: {  	_ =	strace s5  }
0x95: {  	s5 =	sld [smem:$0x3FFC];
	_ =	sdelay $0x3  }
0x96: {  	_ =	strace s5  }
0x97: {  	s5 =	sld [smem:$0x3FFD];
	_ =	sdelay $0x3  }
0x98: {  	_ =	strace s5  }
0x99: {  	_ =	strace $0x8FFFFFFF  }
0x9a: {  	s20 =	sld [smem:$0x3FDB];
	_ =	sdelay $0x1  }
0x9b: {  	s6 =	simm.s32 $_scs_section_size  }
0x9c: {  	s7 =	simm.s32 $_size__tile_overlayer_lowered;
	s8 =	simm.s32 $_tile_overlayer_lowered  }
0x9d: {  	s23 =	simm.s32 $0x1BFF;
	s22 =	sshll.u32 s8, $0x1;
	s5 =	sadd.s32 s6, s20  }
0x9e: {  	s9 =	simm.s32 $0x0;
	s21 =	sshll.u32 s7, $0x1;
	s7 =	sadd.s32 s22, s5  }
0x9f: {  	[timem:s9], [sflag:s23] =	dma.local [hbm:s7], s21  }
0xa0: {  	_ =	swait.ge [sflag:s23], s21  }
0xa1: {  	s6 =	ssub.s32 $0x0, s21;
	[sflag:s23] =	ssyncset.done $0x0  }
0xa2: {  	[sflag:s23] =	ssyncadd.s32 s6;
	_ =	sdelay $0x1  }
0xa3: {  	s24 =	simm.s32 $0x1B8B  }
0xa4: {  	_ =	swait.ge [sflag:s24], $0x1  }
0xa5: {  	[sflag:s24] =	ssyncset.done $0x0  }
0xa6: {  	s25 =	simm.s32 $0x1B8E;
	[sflag:s24] =	ssyncadd.s32 $0xFFFFFFFF  }
0xa7: {  	s26 =	simm.s32 $execute0_lowered;
	[smem:$0x3FD2] =	sst s25  }
0xa8: {  	s6 =	sshll.u32 s26, $0x1;
	_ =	strace $0x80000046;
	[dreg:$0x1] =	wrdreg $0xFFFFFFFF  }
0xa9: {  	s28 =	simm.s32 $_size_execute0_lowered;
	s5 =	sadd.s32 s5, s6;
	[dreg:$0x0] =	wrdreg $0x0  }
0xaa: {  	s6 =	sshll.u32 s28, $0x1;
	[dreg:$0x2] =	wrdreg s5  }
0xab: {  	[dreg:$0x3] =	wrdreg s6  }
0xac: {  	[dreg:$0x4] =	wrdreg $0xC0  }
0xad: {  	_ =	task [dreg:s9], $0x5FFFF  }
0xae: {  	[dreg:$0x1] =	wrdreg $0xFFFFFFFF  }
0xaf: {  	[dreg:$0x0] =	wrdreg $0x60  }
0xb0: {  	[dreg:$0x2] =	wrdreg s2  }
0xb1: {  	[dreg:$0x3] =	wrdreg s19  }
0xb2: {  	[dreg:$0x4] =	wrdreg s4  }
0xb3: {  	[dreg:$0x5] =	wrdreg $0x9  }
0xb4: {  	_ =	task.clear_ibuf [dreg:s9], $0x6FFFF;
	_ =	strace $0x90000046  }
0xb5: {  	s29 =	simm.s32 $0x9;
	_ =	strace $0x80000048  }
0xb6: {  	_ =	swait.ge [sflag:s29], $0x1  }
0xb7: {  	[sflag:s29] =	ssyncadd.s32 $0xFFFFFFFF  }
0xb8: {  	_ =	strace $0x90000048  }
0xb9: {  	_ =	sfence  }
0xba: {  	s30 =	sld [smem:$0x0];
	_ =	sdelay $0x2  }
0xbb: {  	s31 =	sshll.u32 s1, $0xD;
	s1 =	sshrl.u32 s1, $0x2  }
0xbc: {  	s3 =	sand.u32 $0x4000, s31;
	s1 =	sadd.s32 s1, s30  }
0xbd: {  	s0 =	sor.u32 s3, s0;
	s1 =	sshll.u32 s1, $0x11  }
0xbe: {  	s0 =	sor.u32 s1, s0  }
0xbf: {  	s0 =	sadd.s32 $0x8F2B, s0  }
0xc0: {  	[sflag:s0] =	ssyncadd.remote.s32 $0x1  }
0xc1: {  	_ =	sfence.sel $0xFFFF  }
0xc2: {  	[dreg:$0x0] =	wrdreg $0xFFFFFFFF;
	(pc) =	sbr.abs _section_cstart, $3  }
0xc3: {  	[dreg:$0x1] =	wrdreg $0xFFFFFFFF  }
0xc4: {  	_ =	task.clear_ibuf [dreg:s9], $0x2FFFF;
	_ =	strace $0x9FFFFFFF  }
0xc5: {  	(tm) =	ssettm $0x7FFFFFFF  }
tec
execute0_lowered:
.L_overlay_start_1:
0x0: {  	(tag) =	ssettag $0x1  }
0x1: {  	s1 =	rddreg [dreg:$0x0]  }
0x2: {  	s3 =	rddreg [dreg:$0x1]  }
0x3: {  	s7 =	rddreg [dreg:$0x2]  }
0x4: {  	s0 =	srdreg.scid;
	s2 =	stileid.u32  }
0x5: {  	s5 =	simm.s32 $0x0;
	s30 =	simm.s32 $0x4000;
	s29 =	simm.s32 $0x6  }
0x6: {  	s31 =	simm.s32 $0x3;
	s12 =	simm.s32 $0x8;
	s14 =	simm.s32 $0xA  }
0x7: {  	s0 =	sand.u32 $0x1, s0;
	s2 =	sshll.u32 s2, $0x7;
	[smem:$0x7FF] =	sst s5  }
0x8: {  	s11 =	sadd.s32 $0x40, s3;
	s25 =	sadd.s32 $0x800, s7;
	s4 =	sshll.u32 s0, $0x6  }
0x9: {  	s0 =	ssub.s32 $0x2, s0;
	_ =	strace $0x80000047;
	s6 =	sor.u32 s4, s2  }
0xa: {  	[dreg:$0xd] =	wrdreg s25;
	s16 =	sshrl.u32 s0, $0x1;
	s10 =	sshll.u32 s6, $0x9  }
0xb: {  	s0 =	ssub.s32 s0, s16;
	s18 =	sshll.u32 s6, $0x7;
	s19 =	sor.u32 $0x8, s6  }
0xc: {  	s9 =	sor.u32 $0xC, s6;
	s26 =	sor.u32 $0x10, s6;
	[dreg:$0x4] =	wrdreg s10  }
0xd: {  	s28 =	sor.u32 $0x14, s6;
	s17 =	sadd.s32 s1, s10;
	[dreg:$0xe] =	wrdreg s26  }
0xe: {  	s8 =	sadd.s32 s3, s18;
	s20 =	sshll.u32 s19, $0x9;
	[dreg:$0xf] =	wrdreg s28  }
0xf: {  	s2 =	sadd.s32 s18, s11;
	s22 =	sshll.u32 s9, $0x7;
	[dreg:$0x6] =	wrdreg s8  }
0x10: {  	s23 =	sshll.u32 s9, $0x9;
	s18 =	sadd.s32 s7, s10;
	[dreg:$0x5] =	wrdreg s17  }
0x11: {  	s0 =	smax.u32 s0, $0x1;
	s9 =	simm.s32 $0x7;
	[dreg:$0x8] =	wrdreg s2  }
0x12: {  	s10 =	simm.s32 $0x4;
	s4 =	sadd.s32 $0x800, s17;
	[dreg:$0x10] =	wrdreg s0  }
.Ltmp0:
0x13: {  	s21 =	sadd.s32 s1, s20;
	[dreg:$0x7] =	wrdreg s4;
	(pc) =	sbr.rel .LBB2_1-.Ltmp0, $4  }
0x14: {  	s2 =	sand.u32 $0x3E400, s22;
	s24 =	sadd.s32 s1, s23;
	[dreg:$0x9] =	wrdreg s21  }
0x15: {  	s4 =	sshll.u32 s19, $0x7;
	[dreg:$0xb] =	wrdreg s24;
	s2 =	sadd.s32 s2, s11  }
0x16: {  	s24 =	simm.s32 $0x2;
	s3 =	sadd.s32 s3, s4;
	[dreg:$0xc] =	wrdreg s2  }
0x17: {  	s2 =	simm.s32 $0x5;
	s4 =	simm.s32 $0x0;
	[dreg:$0xa] =	wrdreg s3  }
.LBB2_12:
0x18: {  	s0 =	simm.s32 $0x9  }
0x19: {  	_ =	swait.ge [sflag:s0], $0x4000  }
0x1a: {  	[sflag:s0] =	ssyncset.done $0x0  }
0x1b: {  	[sflag:s0] =	ssyncadd.s32 $0xFFFFC000  }
0x1c: {  	_ =	swait.ge [sflag:s14], $0x4000  }
0x1d: {  	[sflag:s14] =	ssyncset.done $0x0  }
0x1e: {  	s26 =	simm.s32 $0xB;
	[sflag:s14] =	ssyncadd.s32 $0xFFFFC000  }
0x1f: {  	_ =	swait.ge [sflag:s26], $0x4000  }
0x20: {  	[sflag:s26] =	ssyncset.done $0x0  }
0x21: {  	s3 =	simm.s32 $0xC;
	[sflag:s26] =	ssyncadd.s32 $0xFFFFC000  }
0x22: {  	_ =	swait.ge [sflag:s3], $0x4000  }
0x23: {  	s4 =	rddreg [dreg:$0x11]  }
0x24: {  	s28 =	rddreg [dreg:$0x10];
	s4 =	sadd.s32 $0x1, s4  }
0x25: {  	p0 =	sne.s32 s4, s28  }
.Ltmp1:
0x26: {  	_ = 	snop;
	(pc) =	sbr.rel @!p0 .LBB2_13-.Ltmp1, $3  }
0x27: {  	_ =	sdelay $0x1  }
0x28: {  	[sflag:s3] =	ssyncset.done $0x0  }
0x29: {  	[sflag:s3] =	ssyncadd.s32 $0xFFFFC000  }
.LBB2_1:
0x2a: {  	[dreg:$0x11] =	wrdreg s4  }
0x2b: {  	s0 =	rddreg [dreg:$0x5]  }
0x2c: {  	s13 =	rddreg [dreg:$0x6]  }
0x2d: {  	[tilespmem:s5], [sflag:$0x1] =	stream.linear.gather [hbm4b:s0+s5], $0x4000, $0x38;
	[tilespmem:$0x14000] =	vst v63  }
0x2e: {  	s3 =	simm.s32 $0x200;
	s15 =	simm.s32 $0x400;
	s7 =	simm.s32 $0x10000  }
0x2f: {  	[tilespmem:s7], [sflag:$0x5] =	stream.strided.gather [hbm4b:s13+s3], $0x1000, s15, s3, $0x38;
	[tilespmem:$0x14000] =	vst v63  }
0x30: {  	s16 =	rddreg [dreg:$0x7]  }
0x31: {  	[tilespmem:s30], [sflag:$0x2] =	stream.linear.gather [hbm4b:s16+s5], $0x4000, $0x38;
	[tilespmem:$0x14000] =	vst v63  }
0x32: {  	s17 =	rddreg [dreg:$0x8];
	s19 =	simm.s32 $0x11000  }
0x33: {  	[tilespmem:s19], [sflag:$0x6] =	stream.strided.gather [hbm4b:s17+s3], $0x1000, s15, s3, $0x38;
	[tilespmem:$0x14000] =	vst v63  }
0x34: {  	s20 =	rddreg [dreg:$0x9];
	s21 =	simm.s32 $0x8000  }
0x35: {  	[tilespmem:s21], [sflag:$0x3] =	stream.linear.gather [hbm4b:s20+s5], $0x4000, $0x38;
	[tilespmem:$0x14000] =	vst v63  }
0x36: {  	s22 =	rddreg [dreg:$0xa];
	s23 =	simm.s32 $0x12000  }
0x37: {  	[tilespmem:s23], [sflag:$0x7] =	stream.strided.gather [hbm4b:s22+s3], $0x1000, s15, s3, $0x38;
	[tilespmem:$0x14000] =	vst v63  }
0x38: {  	s25 =	rddreg [dreg:$0xb];
	s26 =	simm.s32 $0xC000  }
0x39: {  	[tilespmem:s26], [sflag:$0x4] =	stream.linear.gather [hbm4b:s25+s5], $0x4000, $0x38;
	[tilespmem:$0x14000] =	vst v63  }
0x3a: {  	s28 =	rddreg [dreg:$0xc];
	s8 =	simm.s32 $0x0;
	s30 =	simm.s32 $0x13000  }
0x3b: {  	[tilespmem:s30], [sflag:$0x8] =	stream.strided.gather [hbm4b:s28+s3], $0x1000, s15, s3, $0x38;
	[tilespmem:$0x14000] =	vst v63  }
.LBB2_2:
0x3c: {  	s0 =	simm.s32 $0x1  }
0x3d: {  	s4 =	simm.s32 $0x0;
	s13 =	simm.s32 $0x0;
	_ =	swait.ge [sflag:s0], $0x4000  }
0x3e: {  	s16 =	simm.s32 $0x0;
	s15 =	sand.u32 $0x40, s4;
	[sflag:s0] =	ssyncset.done $0x0  }
0x3f: {  	s21 =	sand.u32 $0xE00, s4;
	s13 =	sand.u32 $0x3FFFFF80, s13;
	[sflag:s0] =	ssyncadd.s32 $0xFFFFC000  }
0x40: {  	s16 =	sand.u32 $0x3FFFF000, s16;
	s13 =	sadd.s32 s21, s13;
	_ =	swait.ge [sflag:s2], $0x1000  }
0x41: {  	s21 =	sor.u32 s21, s16;
	s23 =	sor.u32 $0x30, s15;
	[sflag:s2] =	ssyncset.done $0x0  }
0x42: {  	s22 =	sadd.s32 $0x10000, s13;
	s13 =	sor.u32 s23, s21;
	[sflag:s2] =	ssyncadd.s32 $0xFFFFF000  }
0x43: {  	s16 =	sor.u32 s23, s22;
	v3 =	vld [tilespmem:s13+$0x180]  }
0x44: {  	s28 =	sor.u32 $0x10, s15;
	s26 =	sor.u32 s15, s22;
	v0 =	vld [tilespmem:s16+$0x0]  }
0x45: {  	s30 =	sor.u32 $0x20, s15;
	s25 =	sor.u32 s28, s22;
	v8 =	vld [tilespmem:s26+$0x0]  }
0x46: {  	s22 =	sor.u32 s30, s22;
	v2 =	vld [tilespmem:s25+$0x0]  }
0x47: {  	s26 =	sor.u32 s15, s21;
	v1 =	vld [tilespmem:s22+$0x0]  }
0x48: {  	v4 =	vld [tilespmem:s26+$0x0]  }
0x49: {  	v9 =	vld [tilespmem:s26+$0x100]  }
0x4a: {  	v5 =	vld [tilespmem:s26+$0x80]  }
0x4b: {  	s16 =	sor.u32 s28, s21;
	v10 =	vld [tilespmem:s26+$0x180]  }
0x4c: {  	v11 =	vld [tilespmem:s16+$0x0];
	v3 =	vadd.f32 v3, v0  }
0x4d: {  	v7 =	vld [tilespmem:s16+$0x80];
	v4 =	vadd.f32 v4, v8  }
0x4e: {  	v6 =	vld [tilespmem:s16+$0x100];
	v12 =	vadd.f32 v9, v8;
	[tilespmem:s13+$0x180] =	vst v3  }
0x4f: {  	s15 =	sor.u32 s30, s21;
	v3 =	vadd.f32 v5, v8;
	v5 =	vld [tilespmem:s16+$0x180];
	[tilespmem:s26+$0x0] =	vst v4  }
0x50: {  	v9 =	vadd.f32 v10, v8;
	v4 =	vld [tilespmem:s15+$0x0];
	[tilespmem:s26+$0x100] =	vst v12  }
0x51: {  	s21 =	simm.s32 $0x0;
	s22 =	simm.s32 $0x0;
	v8 =	vadd.f32 v11, v2;
	[tilespmem:s26+$0x80] =	vst v3;
	v3 =	vld [tilespmem:s15+$0x80]  }
.LBB2_3:
0x52: {  	s21 =	sadd.s32 $0x4, s21;
	[tilespmem:s26+$0x180] =	vst v9;
	v7 =	vadd.f32 v7, v2;
	v9 =	vld [tilespmem:s15+$0x100];
	s4 =	sadd.s32 $0x40, s4;
	s22 =	sadd.s32 $0x100, s22  }
0x53: {  	s26 =	sand.u32 $0x40, s4;
	s28 =	sshll.u32 s21, $0x1;
	s30 =	sshll.u32 s21, $0x6;
	[tilespmem:s16+$0x0] =	vst v8;
	v6 =	vadd.f32 v6, v2;
	v8 =	vld [tilespmem:s15+$0x180]  }
0x54: {  	s23 =	sand.u32 $0xE00, s22;
	s28 =	sand.u32 $0x3FFFFF80, s28;
	s30 =	sand.u32 $0x3FFFF000, s30;
	[tilespmem:s16+$0x80] =	vst v7;
	v2 =	vadd.f32 v5, v2;
	v5 =	vld [tilespmem:s13+$0x0]  }
0x55: {  	s28 =	sadd.s32 s23, s28;
	s23 =	sor.u32 s23, s30;
	s30 =	sor.u32 $0x30, s26;
	[tilespmem:s16+$0x100] =	vst v6;
	v4 =	vadd.f32 v4, v1;
	v6 =	vld [tilespmem:s13+$0x80]  }
0x56: {  	s3 =	sor.u32 $0x10, s26;
	s28 =	sadd.s32 $0x10000, s28;
	s20 =	sor.u32 s30, s23;
	[tilespmem:s16+$0x180] =	vst v2;
	v2 =	vadd.f32 v3, v1;
	v3 =	vld [tilespmem:s13+$0x100]  }
0x57: {  	s7 =	sor.u32 $0x20, s26;
	s16 =	sor.u32 s26, s28;
	s30 =	sor.u32 s30, s28;
	v7 =	vld [tilespmem:s20+$0x180];
	[tilespmem:s15+$0x0] =	vst v4;
	v4 =	vadd.f32 v9, v1  }
0x58: {  	s26 =	sor.u32 s26, s23;
	s17 =	sor.u32 s3, s28;
	s28 =	sor.u32 s7, s28;
	v9 =	vld [tilespmem:s30+$0x0];
	[tilespmem:s15+$0x80] =	vst v2;
	v1 =	vadd.f32 v8, v1  }
0x59: {  	p0 =	slt.u32 s21, $0xFC;
	v8 =	vld [tilespmem:s16+$0x0];
	s16 =	sor.u32 s3, s23;
	s3 =	sor.u32 s7, s23;
	[tilespmem:s15+$0x100] =	vst v4;
	v4 =	vadd.f32 v5, v0  }
0x5a: {  	v2 =	vld [tilespmem:s17+$0x0];
	[tilespmem:s15+$0x180] =	vst v1;
	v5 =	vadd.f32 v6, v0;
	s15 =	smov.u32 s3  }
0x5b: {  	v1 =	vld [tilespmem:s28+$0x0];
	[tilespmem:s13+$0x0] =	vst v4;
	v6 =	vadd.f32 v3, v0  }
0x5c: {  	v3 =	vld [tilespmem:s26+$0x0];
	[tilespmem:s13+$0x80] =	vst v5  }
0x5d: {  	v4 =	vld [tilespmem:s26+$0x80];
	v5 =	vadd.f32 v7, v9;
	[tilespmem:s13+$0x100] =	vst v6;
	v0 =	vmov v9;
	s13 =	smov.u32 s20  }
0x5e: {  	v9 =	vld [tilespmem:s26+$0x100]  }
0x5f: {  	v10 =	vld [tilespmem:s26+$0x180];
	[tilespmem:s13+$0x180] =	vst v5  }
0x60: {  	v11 =	vld [tilespmem:s16+$0x0]  }
.Ltmp2:
0x61: {  	v3 =	vadd.f32 v3, v8;
	v7 =	vld [tilespmem:s16+$0x80];
	(pc) =	sbr.rel @p0 .LBB2_3-.Ltmp2, $4  }
0x62: {  	v4 =	vadd.f32 v4, v8;
	v6 =	vld [tilespmem:s16+$0x100]  }
0x63: {  	[tilespmem:s26+$0x0] =	vst v3;
	v3 =	vadd.f32 v9, v8;
	v5 =	vld [tilespmem:s16+$0x180]  }
0x64: {  	[tilespmem:s26+$0x80] =	vst v4;
	v9 =	vadd.f32 v10, v8;
	v4 =	vld [tilespmem:s15+$0x0]  }
0x65: {  	[tilespmem:s26+$0x100] =	vst v3;
	v8 =	vadd.f32 v11, v2;
	v3 =	vld [tilespmem:s15+$0x80]  }
0x66: {  	[tilespmem:s26+$0x180] =	vst v9;
	v7 =	vadd.f32 v7, v2;
	v62 =	vld [tilespmem:s15+$0x100]  }
0x67: {  	[tilespmem:s16+$0x0] =	vst v8;
	v6 =	vadd.f32 v6, v2;
	v8 =	vld [tilespmem:s15+$0x180]  }
0x68: {  	[tilespmem:s16+$0x80] =	vst v7;
	v2 =	vadd.f32 v5, v2;
	v5 =	vld [tilespmem:s13+$0x0]  }
0x69: {  	[tilespmem:s16+$0x100] =	vst v6;
	v4 =	vadd.f32 v4, v1;
	v6 =	vld [tilespmem:s13+$0x80]  }
0x6a: {  	[tilespmem:s16+$0x180] =	vst v2;
	v2 =	vadd.f32 v3, v1  }
0x6b: {  	v3 =	vld [tilespmem:s13+$0x100];
	[tilespmem:s15+$0x0] =	vst v4;
	v4 =	vadd.f32 v62, v1  }
0x6c: {  	[tilespmem:s15+$0x80] =	vst v2;
	v1 =	vadd.f32 v8, v1  }
0x6d: {  	[tilespmem:s15+$0x100] =	vst v4;
	v2 =	vadd.f32 v5, v0  }
0x6e: {  	[tilespmem:s15+$0x180] =	vst v1;
	v1 =	vadd.f32 v6, v0  }
0x6f: {  	[tilespmem:s13+$0x0] =	vst v2  }
0x70: {  	v0 =	vadd.f32 v3, v0;
	[tilespmem:s13+$0x80] =	vst v1  }
0x71: {  	s3 =	sshll.u32 s8, $0xD;
	s0 =	rddreg [dreg:$0x4]  }
0x72: {  	s15 =	sshll.u32 s8, $0x2;
	[tilespmem:s13+$0x100] =	vst v0;
	s13 =	rddreg [dreg:$0x2];
	s16 =	sadd.s32 s0, s3  }
0x73: {  	p0 =	seq.s32 s8, $0x0;
	s3 =	sadd.s32 s13, s16;
	s13 =	sor.u32 $0x2, s15  }
0x74: {  	[hbm4b:s3+s5] =	stream.linear.scatter [tilespmem:s5], [sflag:$0x9], $0x4000, $0x38;
	[tilespmem:$0x14000] =	vst v63  }
0x75: {  	s3 =	simm.s32 @!p0 $0xB;
	s4 =	sshll.u32 @!p0 s13, $0x2  }
0x76: {  	_ =	swait.ge @!p0 [sflag:s3], $0x4000;
	s4 =	sadd.s32 @!p0 s6, s4  }
0x77: {  	[sflag:s3] =	ssyncset.done @!p0 $0x0;
	s7 =	sshll.u32 @!p0 s4, $0x9  }
0x78: {  	[sflag:s3] =	ssyncadd.s32 @!p0 $0xFFFFC000;
	s3 =	sand.u32 @!p0 $0x1FFFF000, s7  }
0x79: {  	s17 =	simm.s32 @!p0 $0x8000;
	s7 =	simm.s32 @!p0 $0x0;
	s3 =	sadd.s32 @!p0 s1, s3  }
0x7a: {  	[tilespmem:s17], [sflag:$0x3] =	stream.linear.gather @!p0 [hbm4b:s3+s7], $0x4000, $0x38;
	[tilespmem:$0x14000] =	vst v63  }
0x7b: {  	s3 =	sshll.u32 @!p0 s4, $0x7  }
0x7c: {  	s0 =	rddreg [dreg:$0x1];
	s4 =	simm.s32 @!p0 $0x200;
	s3 =	sand.u32 @!p0 $0x1FFFFC00, s3  }
0x7d: {  	s7 =	simm.s32 @!p0 $0x400;
	s17 =	simm.s32 @!p0 $0x12000;
	s3 =	sadd.s32 @!p0 s0, s3  }
0x7e: {  	[tilespmem:s17], [sflag:$0x7] =	stream.strided.gather @!p0 [hbm4b:s3+s4], $0x1000, s7, s4, $0x38;
	[tilespmem:$0x14000] =	vst v63  }
0x7f: {  	s21 =	simm.s32 $0x0;
	s4 =	simm.s32 $0x0;
	_ =	swait.ge [sflag:s24], $0x4000  }
0x80: {  	s17 =	simm.s32 $0x0;
	s19 =	sand.u32 $0xE00, s4;
	[sflag:s24] =	ssyncset.done $0x0  }
0x81: {  	s3 =	sand.u32 $0x3FFFFF80, s17;
	s20 =	sand.u32 $0x40, s4;
	[sflag:s24] =	ssyncadd.s32 $0xFFFFC000  }
0x82: {  	s17 =	sand.u32 $0x3FFFF000, s21;
	s3 =	sadd.s32 s19, s3;
	_ =	swait.ge [sflag:s29], $0x1000  }
0x83: {  	s22 =	sor.u32 $0x30, s20;
	s3 =	sadd.s32 $0x11000, s3;
	[sflag:s29] =	ssyncset.done $0x0  }
0x84: {  	s7 =	sor.u32 s19, s17;
	s21 =	sor.u32 s22, s3;
	[sflag:s29] =	ssyncadd.s32 $0xFFFFF000  }
0x85: {  	s7 =	sadd.s32 $0x4000, s7;
	s23 =	sor.u32 s20, s3;
	v0 =	vld [tilespmem:s21+$0x0]  }
0x86: {  	s21 =	sor.u32 s22, s7;
	v3 =	vld [tilespmem:s23+$0x0]  }
0x87: {  	s22 =	sor.u32 s20, s7;
	v1 =	vld [tilespmem:s21+$0x180]  }
0x88: {  	v4 =	vld [tilespmem:s22+$0x0]  }
0x89: {  	v5 =	vld [tilespmem:s22+$0x80]  }
0x8a: {  	v6 =	vld [tilespmem:s22+$0x100]  }
0x8b: {  	s25 =	sor.u32 $0x10, s20  }
0x8c: {  	s28 =	sor.u32 s25, s7;
	v7 =	vld [tilespmem:s22+$0x180]  }
0x8d: {  	s23 =	sor.u32 s25, s3;
	v8 =	vld [tilespmem:s28+$0x0];
	v1 =	vadd.f32 v1, v0  }
0x8e: {  	v2 =	vld [tilespmem:s23+$0x0];
	v4 =	vadd.f32 v4, v3  }
0x8f: {  	v63 =	vadd.f32 v6, v3;
	[tilespmem:s21+$0x180] =	vst v1;
	v1 =	vadd.f32 v5, v3;
	v5 =	vld [tilespmem:s28+$0x80]  }
0x90: {  	s26 =	sor.u32 $0x20, s20;
	v6 =	vld [tilespmem:s28+$0x100];
	[tilespmem:s22+$0x0] =	vst v4  }
0x91: {  	s3 =	sor.u32 s26, s3;
	v3 =	vadd.f32 v7, v3;
	v4 =	vld [tilespmem:s28+$0x180];
	[tilespmem:s22+$0x100] =	vst v63  }
0x92: {  	s26 =	sor.u32 s26, s7;
	[tilespmem:s22+$0x80] =	vst v1;
	v1 =	vld [tilespmem:s3+$0x0]  }
0x93: {  	s30 =	simm.s32 $0x0;
	v7 =	vadd.f32 v8, v2;
	[tilespmem:s22+$0x180] =	vst v3;
	v3 =	vld [tilespmem:s26+$0x0];
	s22 =	simm.s32 $0x0  }
.LBB2_5:
0x94: {  	s30 =	sadd.s32 $0x4, s30;
	v5 =	vadd.f32 v5, v2;
	v8 =	vld [tilespmem:s26+$0x80]  }
0x95: {  	s4 =	sadd.s32 $0x40, s4;
	s22 =	sadd.s32 $0x100, s22;
	s3 =	sshll.u32 s30, $0x1;
	[tilespmem:s28+$0x0] =	vst v7;
	v6 =	vadd.f32 v6, v2;
	v7 =	vld [tilespmem:s26+$0x100]  }
0x96: {  	s7 =	sand.u32 $0xE00, s22;
	s17 =	sshll.u32 s30, $0x6;
	s3 =	sand.u32 $0x3FFFFF80, s3;
	[tilespmem:s28+$0x80] =	vst v5;
	v2 =	vadd.f32 v4, v2;
	v4 =	vld [tilespmem:s26+$0x180]  }
0x97: {  	s20 =	sand.u32 $0x40, s4;
	s17 =	sand.u32 $0x3FFFF000, s17;
	s3 =	sadd.s32 s7, s3;
	[tilespmem:s28+$0x100] =	vst v6;
	v5 =	vld [tilespmem:s21+$0x0]  }
0x98: {  	s7 =	sor.u32 s7, s17;
	s17 =	sor.u32 $0x30, s20;
	s3 =	sadd.s32 $0x11000, s3;
	[tilespmem:s28+$0x180] =	vst v2;
	v2 =	vadd.f32 v3, v1;
	v3 =	vld [tilespmem:s21+$0x80]  }
0x99: {  	s23 =	sor.u32 $0x10, s20;
	s7 =	sadd.s32 $0x4000, s7;
	s28 =	sor.u32 s17, s3;
	v6 =	vadd.f32 v8, v1;
	v8 =	vld [tilespmem:s21+$0x100]  }
0x9a: {  	s25 =	sor.u32 $0x20, s20;
	s19 =	sor.u32 s20, s3;
	s17 =	sor.u32 s17, s7;
	v9 =	vld [tilespmem:s28+$0x0];
	[tilespmem:s26+$0x0] =	vst v2;
	v2 =	vadd.f32 v7, v1  }
0x9b: {  	s20 =	sor.u32 s20, s7;
	s0 =	sor.u32 s23, s3;
	s28 =	sor.u32 s23, s7;
	v7 =	vld [tilespmem:s17+$0x180];
	[tilespmem:s26+$0x80] =	vst v6;
	v1 =	vadd.f32 v4, v1  }
0x9c: {  	p1 =	slt.u32 s30, $0xFC;
	s3 =	sor.u32 s25, s3;
	s7 =	sor.u32 s25, s7;
	v4 =	vld [tilespmem:s19+$0x0];
	[tilespmem:s26+$0x100] =	vst v2;
	v2 =	vadd.f32 v5, v0  }
0x9d: {  	v5 =	vld [tilespmem:s20+$0x0];
	[tilespmem:s26+$0x180] =	vst v1;
	v1 =	vadd.f32 v3, v0;
	s26 =	smov.u32 s7  }
0x9e: {  	v3 =	vld [tilespmem:s20+$0x80];
	[tilespmem:s21+$0x0] =	vst v2;
	v2 =	vadd.f32 v8, v0  }
0x9f: {  	v6 =	vld [tilespmem:s20+$0x100];
	[tilespmem:s21+$0x80] =	vst v1;
	v0 =	vmov v9  }
0xa0: {  	v1 =	vld [tilespmem:s20+$0x180];
	v7 =	vadd.f32 v7, v0;
	[tilespmem:s21+$0x100] =	vst v2;
	s21 =	smov.u32 s17  }
0xa1: {  	v2 =	vld [tilespmem:s0+$0x0]  }
0xa2: {  	v8 =	vadd.f32 v5, v4;
	v9 =	vld [tilespmem:s28+$0x0];
	[tilespmem:s21+$0x180] =	vst v7  }
.Ltmp3:
0xa3: {  	v3 =	vadd.f32 v3, v4;
	v5 =	vld [tilespmem:s28+$0x80];
	(pc) =	sbr.rel @p1 .LBB2_5-.Ltmp3, $4  }
0xa4: {  	[tilespmem:s20+$0x0] =	vst v8;
	v7 =	vadd.f32 v6, v4;
	v6 =	vld [tilespmem:s28+$0x100]  }
0xa5: {  	[tilespmem:s20+$0x80] =	vst v3;
	v3 =	vadd.f32 v1, v4;
	v4 =	vld [tilespmem:s28+$0x180]  }
0xa6: {  	[tilespmem:s20+$0x100] =	vst v7;
	v1 =	vld [tilespmem:s3+$0x0]  }
0xa7: {  	[tilespmem:s20+$0x180] =	vst v3;
	v7 =	vadd.f32 v9, v2;
	v3 =	vld [tilespmem:s26+$0x0]  }
0xa8: {  	v8 =	vld [tilespmem:s26+$0x80]  }
0xa9: {  	v5 =	vadd.f32 v5, v2;
	v9 =	vld [tilespmem:s26+$0x100]  }
0xaa: {  	[tilespmem:s28+$0x0] =	vst v7;
	v6 =	vadd.f32 v6, v2;
	v7 =	vld [tilespmem:s26+$0x180]  }
0xab: {  	[tilespmem:s28+$0x80] =	vst v5;
	v2 =	vadd.f32 v4, v2;
	v4 =	vld [tilespmem:s21+$0x0]  }
0xac: {  	v5 =	vld [tilespmem:s21+$0x80];
	[tilespmem:s28+$0x100] =	vst v6;
	v3 =	vadd.f32 v3, v1  }
0xad: {  	v6 =	vld [tilespmem:s21+$0x100];
	[tilespmem:s28+$0x180] =	vst v2;
	v2 =	vadd.f32 v8, v1  }
0xae: {  	[tilespmem:s26+$0x0] =	vst v3;
	v3 =	vadd.f32 v9, v1  }
0xaf: {  	v1 =	vadd.f32 v7, v1;
	[tilespmem:s26+$0x80] =	vst v2  }
0xb0: {  	v2 =	vadd.f32 v4, v0;
	[tilespmem:s26+$0x100] =	vst v3  }
0xb1: {  	[tilespmem:s26+$0x180] =	vst v1;
	v1 =	vadd.f32 v5, v0  }
0xb2: {  	v0 =	vadd.f32 v6, v0;
	[tilespmem:s21+$0x0] =	vst v2  }
0xb3: {  	[tilespmem:s21+$0x80] =	vst v1  }
0xb4: {  	[tilespmem:s21+$0x100] =	vst v0  }
0xb5: {  	s0 =	rddreg [dreg:$0xd]  }
0xb6: {  	s30 =	simm.s32 $0x4000;
	s15 =	sor.u32 $0x3, s15;
	s0 =	sadd.s32 s16, s0  }
0xb7: {  	[hbm4b:s0+s5] =	stream.linear.scatter [tilespmem:s30], [sflag:$0xA], $0x4000, $0x38;
	[tilespmem:$0x14000] =	vst v63  }
0xb8: {  	s3 =	sshll.u32 @!p0 s15, $0x2;
	s0 =	simm.s32 @!p0 $0xC  }
0xb9: {  	s3 =	sadd.s32 @!p0 s6, s3;
	_ =	swait.ge @!p0 [sflag:s0], $0x4000  }
0xba: {  	s4 =	sshll.u32 @!p0 s3, $0x9;
	[sflag:s0] =	ssyncset.done @!p0 $0x0  }
0xbb: {  	[sflag:s0] =	ssyncadd.s32 @!p0 $0xFFFFC000;
	s0 =	sand.u32 @!p0 $0x1FFFF800, s4  }
0xbc: {  	s7 =	simm.s32 @!p0 $0xC000;
	s4 =	simm.s32 @!p0 $0x0;
	s0 =	sadd.s32 @!p0 s1, s0  }
0xbd: {  	[tilespmem:s7], [sflag:$0x4] =	stream.linear.gather @!p0 [hbm4b:s0+s4], $0x4000, $0x38;
	[tilespmem:$0x14000] =	vst v63  }
0xbe: {  	s0 =	sshll.u32 @!p0 s3, $0x7  }
0xbf: {  	s19 =	simm.s32 $0x0;
	s3 =	simm.s32 @!p0 $0x200;
	s0 =	sand.u32 @!p0 $0x1FFFFC00, s0  }
0xc0: {  	s4 =	simm.s32 @!p0 $0x400;
	s7 =	simm.s32 @!p0 $0x13000;
	s0 =	sadd.s32 @!p0 s0, s11  }
0xc1: {  	[tilespmem:s7], [sflag:$0x8] =	stream.strided.gather @!p0 [hbm4b:s0+s3], $0x1000, s4, s3, $0x38;
	[tilespmem:$0x14000] =	vst v63  }
0xc2: {  	s4 =	simm.s32 $0x0;
	s7 =	simm.s32 $0x0;
	_ =	swait.ge [sflag:s31], $0x4000  }
0xc3: {  	s16 =	sand.u32 $0xE00, s4;
	s0 =	sand.u32 $0x3FFFFF80, s7;
	[sflag:s31] =	ssyncset.done $0x0  }
0xc4: {  	s17 =	sand.u32 $0x40, s4;
	s7 =	sand.u32 $0x3FFFF000, s19;
	[sflag:s31] =	ssyncadd.s32 $0xFFFFC000  }
0xc5: {  	s0 =	sadd.s32 s16, s0;
	s3 =	sor.u32 s16, s7;
	_ =	swait.ge [sflag:s9], $0x1000  }
0xc6: {  	s20 =	sor.u32 $0x30, s17;
	s0 =	sadd.s32 $0x12000, s0;
	[sflag:s9] =	ssyncset.done $0x0  }
0xc7: {  	s3 =	sadd.s32 $0x8000, s3;
	s21 =	sor.u32 s20, s0;
	[sflag:s9] =	ssyncadd.s32 $0xFFFFF000  }
0xc8: {  	s16 =	sor.u32 s20, s3;
	v0 =	vld [tilespmem:s21+$0x0]  }
0xc9: {  	s22 =	sor.u32 s17, s0;
	v1 =	vld [tilespmem:s16+$0x180]  }
0xca: {  	s19 =	sor.u32 s17, s3;
	v3 =	vld [tilespmem:s22+$0x0]  }
0xcb: {  	v4 =	vld [tilespmem:s19+$0x0]  }
0xcc: {  	v5 =	vld [tilespmem:s19+$0x80]  }
0xcd: {  	v6 =	vld [tilespmem:s19+$0x100]  }
0xce: {  	s23 =	sor.u32 $0x10, s17  }
0xcf: {  	s20 =	sor.u32 s23, s0;
	v7 =	vld [tilespmem:s19+$0x180]  }
0xd0: {  	s26 =	sor.u32 s23, s3;
	v2 =	vld [tilespmem:s20+$0x0];
	v1 =	vadd.f32 v1, v0  }
0xd1: {  	v8 =	vld [tilespmem:s26+$0x0];
	v4 =	vadd.f32 v4, v3  }
0xd2: {  	v63 =	vadd.f32 v6, v3;
	[tilespmem:s16+$0x180] =	vst v1;
	v1 =	vadd.f32 v5, v3;
	v5 =	vld [tilespmem:s26+$0x80]  }
0xd3: {  	s25 =	sor.u32 $0x20, s17;
	v6 =	vld [tilespmem:s26+$0x100];
	[tilespmem:s19+$0x0] =	vst v4  }
0xd4: {  	s0 =	sor.u32 s25, s0;
	v3 =	vadd.f32 v7, v3;
	v4 =	vld [tilespmem:s26+$0x180];
	[tilespmem:s19+$0x100] =	vst v63  }
0xd5: {  	s21 =	sor.u32 s25, s3;
	[tilespmem:s19+$0x80] =	vst v1;
	v1 =	vld [tilespmem:s0+$0x0]  }
0xd6: {  	s28 =	simm.s32 $0x0;
	s22 =	simm.s32 $0x0;
	v7 =	vadd.f32 v8, v2;
	[tilespmem:s19+$0x180] =	vst v3;
	v3 =	vld [tilespmem:s21+$0x0]  }
.LBB2_7:
0xd7: {  	s28 =	sadd.s32 $0x4, s28;
	v5 =	vadd.f32 v5, v2;
	v8 =	vld [tilespmem:s21+$0x80]  }
0xd8: {  	s4 =	sadd.s32 $0x40, s4;
	s22 =	sadd.s32 $0x100, s22;
	s0 =	sshll.u32 s28, $0x1;
	[tilespmem:s26+$0x0] =	vst v7;
	v6 =	vadd.f32 v6, v2;
	v7 =	vld [tilespmem:s21+$0x100]  }
0xd9: {  	s3 =	sand.u32 $0xE00, s22;
	s7 =	sshll.u32 s28, $0x6;
	s0 =	sand.u32 $0x3FFFFF80, s0;
	[tilespmem:s26+$0x80] =	vst v5;
	v2 =	vadd.f32 v4, v2;
	v4 =	vld [tilespmem:s21+$0x180]  }
0xda: {  	s17 =	sand.u32 $0x40, s4;
	s7 =	sand.u32 $0x3FFFF000, s7;
	s0 =	sadd.s32 s3, s0;
	[tilespmem:s26+$0x100] =	vst v6;
	v5 =	vld [tilespmem:s16+$0x0]  }
0xdb: {  	s3 =	sor.u32 s3, s7;
	s7 =	sor.u32 $0x30, s17;
	s0 =	sadd.s32 $0x12000, s0;
	[tilespmem:s26+$0x180] =	vst v2;
	v2 =	vadd.f32 v3, v1;
	v3 =	vld [tilespmem:s16+$0x80]  }
0xdc: {  	s19 =	sor.u32 $0x10, s17;
	s3 =	sadd.s32 $0x8000, s3;
	s20 =	sor.u32 s7, s0;
	v6 =	vadd.f32 v8, v1;
	v8 =	vld [tilespmem:s16+$0x100]  }
0xdd: {  	s25 =	sor.u32 $0x20, s17;
	s23 =	sor.u32 s17, s0;
	s7 =	sor.u32 s7, s3;
	v9 =	vld [tilespmem:s20+$0x0];
	[tilespmem:s21+$0x0] =	vst v2;
	v2 =	vadd.f32 v7, v1  }
0xde: {  	s17 =	sor.u32 s17, s3;
	s26 =	sor.u32 s19, s3;
	s20 =	sor.u32 s19, s0;
	v7 =	vld [tilespmem:s7+$0x180];
	[tilespmem:s21+$0x80] =	vst v6;
	v1 =	vadd.f32 v4, v1  }
0xdf: {  	p0 =	slt.u32 s28, $0xFC;
	s3 =	sor.u32 s25, s3;
	s0 =	sor.u32 s25, s0;
	v4 =	vld [tilespmem:s23+$0x0];
	[tilespmem:s21+$0x100] =	vst v2;
	v2 =	vadd.f32 v5, v0  }
0xe0: {  	v5 =	vld [tilespmem:s17+$0x0];
	[tilespmem:s21+$0x180] =	vst v1;
	v1 =	vadd.f32 v3, v0;
	s21 =	smov.u32 s3  }
0xe1: {  	v3 =	vld [tilespmem:s17+$0x80];
	[tilespmem:s16+$0x0] =	vst v2;
	v2 =	vadd.f32 v8, v0  }
0xe2: {  	v6 =	vld [tilespmem:s17+$0x100];
	[tilespmem:s16+$0x80] =	vst v1;
	v0 =	vmov v9  }
0xe3: {  	v1 =	vld [tilespmem:s17+$0x180];
	v7 =	vadd.f32 v7, v0;
	[tilespmem:s16+$0x100] =	vst v2;
	s16 =	smov.u32 s7  }
0xe4: {  	v2 =	vld [tilespmem:s20+$0x0]  }
0xe5: {  	v8 =	vadd.f32 v5, v4;
	v9 =	vld [tilespmem:s26+$0x0];
	[tilespmem:s16+$0x180] =	vst v7  }
.Ltmp4:
0xe6: {  	v3 =	vadd.f32 v3, v4;
	v5 =	vld [tilespmem:s26+$0x80];
	(pc) =	sbr.rel @p0 .LBB2_7-.Ltmp4, $4  }
0xe7: {  	[tilespmem:s17+$0x0] =	vst v8;
	v7 =	vadd.f32 v6, v4;
	v6 =	vld [tilespmem:s26+$0x100]  }
0xe8: {  	[tilespmem:s17+$0x80] =	vst v3;
	v3 =	vadd.f32 v1, v4;
	v4 =	vld [tilespmem:s26+$0x180]  }
0xe9: {  	[tilespmem:s17+$0x100] =	vst v7;
	v1 =	vld [tilespmem:s0+$0x0]  }
0xea: {  	[tilespmem:s17+$0x180] =	vst v3;
	v7 =	vadd.f32 v9, v2;
	v3 =	vld [tilespmem:s21+$0x0]  }
0xeb: {  	v8 =	vld [tilespmem:s21+$0x80]  }
0xec: {  	v5 =	vadd.f32 v5, v2;
	v9 =	vld [tilespmem:s21+$0x100]  }
0xed: {  	[tilespmem:s26+$0x0] =	vst v7;
	v6 =	vadd.f32 v6, v2;
	v7 =	vld [tilespmem:s21+$0x180]  }
0xee: {  	[tilespmem:s26+$0x80] =	vst v5;
	v2 =	vadd.f32 v4, v2;
	v4 =	vld [tilespmem:s16+$0x0]  }
0xef: {  	v5 =	vld [tilespmem:s16+$0x80];
	[tilespmem:s26+$0x100] =	vst v6;
	v3 =	vadd.f32 v3, v1  }
0xf0: {  	v6 =	vld [tilespmem:s16+$0x100];
	[tilespmem:s26+$0x180] =	vst v2;
	v2 =	vadd.f32 v8, v1  }
0xf1: {  	[tilespmem:s21+$0x0] =	vst v3;
	v3 =	vadd.f32 v9, v1  }
0xf2: {  	v1 =	vadd.f32 v7, v1;
	[tilespmem:s21+$0x80] =	vst v2  }
0xf3: {  	v2 =	vadd.f32 v4, v0;
	[tilespmem:s21+$0x100] =	vst v3  }
0xf4: {  	[tilespmem:s21+$0x180] =	vst v1;
	v1 =	vadd.f32 v5, v0  }
0xf5: {  	v0 =	vadd.f32 v6, v0;
	[tilespmem:s16+$0x0] =	vst v2  }
0xf6: {  	s0 =	sshll.u32 s13, $0xB;
	[tilespmem:s16+$0x80] =	vst v1  }
0xf7: {  	s3 =	simm.s32 $0x8000;
	p0 =	seq.s32 s8, $0x3;
	s0 =	sadd.s32 s0, s18;
	[tilespmem:s16+$0x100] =	vst v0  }
0xf8: {  	[hbm4b:s0+s5] =	stream.linear.scatter [tilespmem:s3], [sflag:$0xB], $0x4000, $0x38;
	[tilespmem:$0x14000] =	vst v63  }
0xf9: {  	s0 =	simm.s32 @!p0 $0x9  }
0xfa: {  	_ =	swait.ge @!p0 [sflag:s0], $0x4000  }
0xfb: {  	s3 =	sshll.u32 @!p0 s8, $0x4;
	s4 =	rddreg [dreg:$0xe]  }
0xfc: {  	s3 =	sadd.s32 @!p0 s3, s4  }
0xfd: {  	s19 =	simm.s32 $0x0;
	[sflag:s0] =	ssyncset.done @!p0 $0x0;
	s4 =	sshll.u32 @!p0 s3, $0x9  }
0xfe: {  	[sflag:s0] =	ssyncadd.s32 @!p0 $0xFFFFC000;
	s0 =	sadd.s32 @!p0 s1, s4;
	s4 =	simm.s32 @!p0 $0x0  }
0xff: {  	[tilespmem:s4], [sflag:$0x1] =	stream.linear.gather @!p0 [hbm4b:s0+s4], $0x4000, $0x38;
	[tilespmem:$0x14000] =	vst v63  }
0x100: {  	s7 =	simm.s32 @!p0 $0x10000;
	s0 =	sshll.u32 @!p0 s3, $0x7;
	s3 =	rddreg [dreg:$0x1]  }
0x101: {  	s4 =	simm.s32 @!p0 $0x400;
	s0 =	sadd.s32 @!p0 s3, s0;
	s3 =	simm.s32 @!p0 $0x200  }
0x102: {  	[tilespmem:s7], [sflag:$0x5] =	stream.strided.gather @!p0 [hbm4b:s0+s3], $0x1000, s4, s3, $0x38;
	[tilespmem:$0x14000] =	vst v63  }
0x103: {  	s16 =	simm.s32 $0x0;
	s4 =	simm.s32 $0x0;
	_ =	swait.ge [sflag:s10], $0x4000  }
0x104: {  	s0 =	sand.u32 $0x3FFFFF80, s16;
	s7 =	sand.u32 $0x3FFFF000, s19;
	[sflag:s10] =	ssyncset.done $0x0  }
0x105: {  	s17 =	sand.u32 $0xE00, s4;
	s20 =	sand.u32 $0x40, s4;
	[sflag:s10] =	ssyncadd.s32 $0xFFFFC000  }
0x106: {  	s0 =	sadd.s32 s17, s0;
	s3 =	sor.u32 s17, s7;
	_ =	swait.ge [sflag:s12], $0x1000  }
0x107: {  	s22 =	sor.u32 $0x30, s20;
	s0 =	sadd.s32 $0x13000, s0;
	[sflag:s12] =	ssyncset.done $0x0  }
0x108: {  	s3 =	sadd.s32 $0xC000, s3;
	s23 =	sor.u32 s22, s0;
	[sflag:s12] =	ssyncadd.s32 $0xFFFFF000  }
0x109: {  	s13 =	sor.u32 s22, s3;
	v0 =	vld [tilespmem:s23+$0x0]  }
0x10a: {  	s25 =	sor.u32 s20, s0;
	v1 =	vld [tilespmem:s13+$0x180]  }
0x10b: {  	s17 =	sor.u32 s20, s3;
	v3 =	vld [tilespmem:s25+$0x0]  }
0x10c: {  	v4 =	vld [tilespmem:s17+$0x0]  }
0x10d: {  	v5 =	vld [tilespmem:s17+$0x80]  }
0x10e: {  	v6 =	vld [tilespmem:s17+$0x100]  }
0x10f: {  	s26 =	sor.u32 $0x10, s20  }
0x110: {  	s19 =	sor.u32 s26, s0;
	v7 =	vld [tilespmem:s17+$0x180]  }
0x111: {  	s21 =	sor.u32 s26, s3;
	v2 =	vld [tilespmem:s19+$0x0];
	v1 =	vadd.f32 v1, v0  }
0x112: {  	v8 =	vld [tilespmem:s21+$0x0];
	v4 =	vadd.f32 v4, v3  }
0x113: {  	v63 =	vadd.f32 v6, v3;
	[tilespmem:s13+$0x180] =	vst v1;
	v1 =	vadd.f32 v5, v3;
	v5 =	vld [tilespmem:s21+$0x80]  }
0x114: {  	s28 =	sor.u32 $0x20, s20;
	v6 =	vld [tilespmem:s21+$0x100];
	[tilespmem:s17+$0x0] =	vst v4  }
0x115: {  	s0 =	sor.u32 s28, s0;
	v3 =	vadd.f32 v7, v3;
	v4 =	vld [tilespmem:s21+$0x180];
	[tilespmem:s17+$0x100] =	vst v63  }
0x116: {  	s16 =	sor.u32 s28, s3;
	[tilespmem:s17+$0x80] =	vst v1;
	v1 =	vld [tilespmem:s0+$0x0]  }
0x117: {  	s26 =	simm.s32 $0x0;
	s22 =	simm.s32 $0x0;
	v7 =	vadd.f32 v8, v2;
	[tilespmem:s17+$0x180] =	vst v3;
	v3 =	vld [tilespmem:s16+$0x0]  }
.LBB2_9:
0x118: {  	s26 =	sadd.s32 $0x4, s26;
	v5 =	vadd.f32 v5, v2;
	v8 =	vld [tilespmem:s16+$0x80]  }
0x119: {  	s4 =	sadd.s32 $0x40, s4;
	s22 =	sadd.s32 $0x100, s22;
	s0 =	sshll.u32 s26, $0x1;
	[tilespmem:s21+$0x0] =	vst v7;
	v6 =	vadd.f32 v6, v2;
	v7 =	vld [tilespmem:s16+$0x100]  }
0x11a: {  	s3 =	sand.u32 $0xE00, s22;
	s7 =	sshll.u32 s26, $0x6;
	s0 =	sand.u32 $0x3FFFFF80, s0;
	[tilespmem:s21+$0x80] =	vst v5;
	v2 =	vadd.f32 v4, v2;
	v4 =	vld [tilespmem:s16+$0x180]  }
0x11b: {  	s17 =	sand.u32 $0x40, s4;
	s7 =	sand.u32 $0x3FFFF000, s7;
	s0 =	sadd.s32 s3, s0;
	[tilespmem:s21+$0x100] =	vst v6;
	v5 =	vld [tilespmem:s13+$0x0]  }
0x11c: {  	s3 =	sor.u32 s3, s7;
	s7 =	sor.u32 $0x30, s17;
	s0 =	sadd.s32 $0x13000, s0;
	[tilespmem:s21+$0x180] =	vst v2;
	v2 =	vadd.f32 v3, v1;
	v3 =	vld [tilespmem:s13+$0x80]  }
0x11d: {  	s19 =	sor.u32 $0x10, s17;
	s3 =	sadd.s32 $0xC000, s3;
	s20 =	sor.u32 s7, s0;
	v6 =	vadd.f32 v8, v1;
	v8 =	vld [tilespmem:s13+$0x100]  }
0x11e: {  	s25 =	sor.u32 $0x20, s17;
	s23 =	sor.u32 s17, s0;
	s7 =	sor.u32 s7, s3;
	v9 =	vld [tilespmem:s20+$0x0];
	[tilespmem:s16+$0x0] =	vst v2;
	v2 =	vadd.f32 v7, v1  }
0x11f: {  	s17 =	sor.u32 s17, s3;
	s21 =	sor.u32 s19, s3;
	s20 =	sor.u32 s19, s0;
	v7 =	vld [tilespmem:s7+$0x180];
	[tilespmem:s16+$0x80] =	vst v6;
	v1 =	vadd.f32 v4, v1  }
0x120: {  	p1 =	slt.u32 s26, $0xFC;
	s3 =	sor.u32 s25, s3;
	s0 =	sor.u32 s25, s0;
	v4 =	vld [tilespmem:s23+$0x0];
	[tilespmem:s16+$0x100] =	vst v2;
	v2 =	vadd.f32 v5, v0  }
0x121: {  	v5 =	vld [tilespmem:s17+$0x0];
	[tilespmem:s16+$0x180] =	vst v1;
	v1 =	vadd.f32 v3, v0;
	s16 =	smov.u32 s3  }
0x122: {  	v3 =	vld [tilespmem:s17+$0x80];
	[tilespmem:s13+$0x0] =	vst v2;
	v2 =	vadd.f32 v8, v0  }
0x123: {  	v6 =	vld [tilespmem:s17+$0x100];
	[tilespmem:s13+$0x80] =	vst v1;
	v0 =	vmov v9  }
0x124: {  	v1 =	vld [tilespmem:s17+$0x180];
	v7 =	vadd.f32 v7, v0;
	[tilespmem:s13+$0x100] =	vst v2;
	s13 =	smov.u32 s7  }
0x125: {  	v2 =	vld [tilespmem:s20+$0x0]  }
0x126: {  	v8 =	vadd.f32 v5, v4;
	v9 =	vld [tilespmem:s21+$0x0];
	[tilespmem:s13+$0x180] =	vst v7  }
.Ltmp5:
0x127: {  	v3 =	vadd.f32 v3, v4;
	v5 =	vld [tilespmem:s21+$0x80];
	(pc) =	sbr.rel @p1 .LBB2_9-.Ltmp5, $4  }
0x128: {  	[tilespmem:s17+$0x0] =	vst v8;
	v7 =	vadd.f32 v6, v4;
	v6 =	vld [tilespmem:s21+$0x100]  }
0x129: {  	[tilespmem:s17+$0x80] =	vst v3;
	v3 =	vadd.f32 v1, v4;
	v4 =	vld [tilespmem:s21+$0x180]  }
0x12a: {  	[tilespmem:s17+$0x100] =	vst v7;
	v1 =	vld [tilespmem:s0+$0x0]  }
0x12b: {  	[tilespmem:s17+$0x180] =	vst v3;
	v7 =	vadd.f32 v9, v2;
	v3 =	vld [tilespmem:s16+$0x0]  }
0x12c: {  	v8 =	vld [tilespmem:s16+$0x80]  }
0x12d: {  	v5 =	vadd.f32 v5, v2;
	v9 =	vld [tilespmem:s16+$0x100]  }
0x12e: {  	v53 =	vld [tilespmem:s16+$0x180];
	[tilespmem:s21+$0x0] =	vst v7;
	v6 =	vadd.f32 v6, v2  }
0x12f: {  	v55 =	vld [tilespmem:s13+$0x0];
	[tilespmem:s21+$0x80] =	vst v5;
	v54 =	vadd.f32 v4, v2  }
0x130: {  	v56 =	vld [tilespmem:s13+$0x80];
	[tilespmem:s21+$0x100] =	vst v6;
	v3 =	vadd.f32 v3, v1  }
0x131: {  	v58 =	vld [tilespmem:s13+$0x100];
	[tilespmem:s21+$0x180] =	vst v54;
	v57 =	vadd.f32 v8, v1  }
0x132: {  	v59 =	vadd.f32 v9, v1;
	[tilespmem:s16+$0x0] =	vst v3  }
0x133: {  	v60 =	vadd.f32 v53, v1;
	[tilespmem:s16+$0x80] =	vst v57  }
0x134: {  	v61 =	vadd.f32 v55, v0;
	[tilespmem:s16+$0x100] =	vst v59  }
.Ltmp6:
0x135: {  	v62 =	vadd.f32 v56, v0;
	[tilespmem:s16+$0x180] =	vst v60;
	(pc) =	sbr.rel @p0 .LBB2_12-.Ltmp6, $4  }
0x136: {  	v63 =	vadd.f32 v58, v0;
	[tilespmem:s13+$0x0] =	vst v61  }
0x137: {  	s0 =	sshll.u32 s15, $0xB;
	[tilespmem:s13+$0x80] =	vst v62  }
0x138: {  	s3 =	simm.s32 $0xC000;
	s0 =	sadd.s32 s0, s18;
	[tilespmem:s13+$0x100] =	vst v63  }
0x139: {  	[hbm4b:s0+s5] =	stream.linear.scatter [tilespmem:s3], [sflag:$0xC], $0x4000, $0x38;
	[tilespmem:$0x14000] =	vst v63  }
0x13a: {  	_ =	swait.ge [sflag:s14], $0x4000  }
0x13b: {  	s0 =	sshll.u32 s8, $0x4;
	s4 =	simm.s32 $0x400;
	s3 =	rddreg [dreg:$0xf]  }
0x13c: {  	s7 =	simm.s32 $0x11000;
	[sflag:s14] =	ssyncset.done $0x0;
	s0 =	sadd.s32 s0, s3  }
.Ltmp7:
0x13d: {  	s3 =	sshll.u32 s0, $0x9;
	s0 =	sshll.u32 s0, $0x7;
	(pc) =	sbr.rel .LBB2_2-.Ltmp7, $4  }
0x13e: {  	[sflag:s14] =	ssyncadd.s32 $0xFFFFC000;
	s3 =	sadd.s32 s1, s3;
	s0 =	sand.u32 $0x7F800, s0  }
0x13f: {  	[tilespmem:s30], [sflag:$0x2] =	stream.linear.gather [hbm4b:s3+s5], $0x4000, $0x38;
	[tilespmem:$0x14000] =	vst v63  }
0x140: {  	s8 =	sadd.s32 $0x1, s8;
	s0 =	sadd.s32 s0, s11;
	s30 =	simm.s32 $0x200  }
0x141: {  	[tilespmem:s7], [sflag:$0x6] =	stream.strided.gather [hbm4b:s0+s30], $0x1000, s4, s30, $0x38;
	[tilespmem:$0x14000] =	vst v63  }
.LBB2_13:
0x142: {  	_ =	sfence.sel $0x180000  }
0x143: {  	[bflag:$0x0] =	sbarrier.arrive $0xFFFF  }
0x144: {  	_ =	strace $0x90000047  }
0x145: {  	s0 =	stileid.u32;
	[bflag:$0x2] =	sbarrier.arrive $0xFFFF  }
0x146: {  	p0 =	sne.s32 s0, $0x0;
	s0 =	rddreg [dreg:$0x3]  }
0x147: {  	s0 =	sadd.s32 @!p0 $0x100000, s0  }
0x148: {  	[sflag:s0] =	ssyncadd.tile.s32 @!p0 $0x1;
	_ =	shalt  }
.Lfunc_end2:
_tile_overlayer_lowered:
.L_overlay_start_2:
0x149: {  	(tag) =	ssettag $0x2  }
0x14a: {  	s0 =	rddreg [dreg:$0x0];
	s2 =	stileid.u32  }
0x14b: {  	s1 =	rddreg [dreg:$0x1];
	p0 =	sne.s32 s2, $0x0  }
0x14c: {  	s3 =	rddreg [dreg:$0x2];
	[bflag:$0x3] =	sbarrier.arrive $0xFFFF;
	s2 =	simm.s32 @!p0 $0x1C0D  }
0x14d: {  	[timem:s3], [sflag:s2] =	dma.local @!p0 [hbm:s0], s1  }
0x14e: {  	s0 =	simm.s32 @!p0 $0xD  }
0x14f: {  	_ =	swait.ge @!p0 [sflag:s0], s1  }
0x150: {  	s1 =	ssub.s32 @!p0 $0x0, s1;
	[sflag:s0] =	ssyncset.done @!p0 $0x0  }
0x151: {  	[sflag:s0] =	ssyncadd.s32 @!p0 s1  }
0x152: {  	[bflag:$0x3] =	sbarrier.arrive $0xFFFF  }
0x153: {  	_ =	shalt  }

</sc_bundles>
